<compile_context>
chip_gen: v7x
topology: tpu7x:2x2x1
jax: 0.10.2.dev20260603
libtpu: 0.0.44.dev20260713+nightly
codegen_flags: <defaults>
</compile_context>

<pallas_src>
import jax
import jax.numpy as jnp
from jax import lax
from jax.experimental import pallas as pl
from jax.experimental.pallas import tpu as pltpu
from jax.experimental.pallas import tpu_sc as plsc

VOCAB = 100000
EMBED_DIM = 128
BATCH = 4096
HIST = 200

NC, NS = 2, 16
NW = NC * NS
TOTAL = BATCH * HIST
ROWS_PER_W = TOTAL // NW
CHUNK = 64
GATHERS = max(1, CHUNK // 128)
STEPS = ROWS_PER_W // CHUNK
NBUF = 8


def _embed_kernel(idx_hbm, table_hbm, out_hbm, *refs):
    wid = lax.axis_index("s") * NC + lax.axis_index("c")
    def row0(c):
        return (c * NW + wid) * CHUNK
    idx_bufs = refs[0:NBUF]
    rows_bufs = refs[NBUF:2 * NBUF]
    gsems = refs[2 * NBUF:3 * NBUF]
    osems = refs[3 * NBUF:4 * NBUF]
    isems = refs[4 * NBUF:5 * NBUF]

    def fire_gathers(c, b):
        for j in range(GATHERS):
            pltpu.async_copy(
                table_hbm.at[idx_bufs[b].at[pl.ds(j * CHUNK, CHUNK)]],
                rows_bufs[b].at[pl.ds(j * CHUNK, CHUNK)],
                gsems[b],
            )

    def fire_idx(c, b):
        pltpu.async_copy(
            idx_hbm.at[pl.ds(row0(c), CHUNK)], idx_bufs[b], isems[b]
        )

    def drain_gathers(b):
        for j in range(GATHERS):
            pltpu.make_async_copy(
                table_hbm.at[idx_bufs[b].at[pl.ds(j * CHUNK, CHUNK)]],
                rows_bufs[b].at[pl.ds(j * CHUNK, CHUNK)],
                gsems[b],
            ).wait()

    def drain_idx(b):
        pltpu.make_async_copy(
            idx_hbm.at[pl.ds(0, CHUNK)], idx_bufs[b], isems[b]
        ).wait()

    def drain_out(b):
        pltpu.make_async_copy(
            rows_bufs[b], out_hbm.at[pl.ds(0, CHUNK)], osems[b]
        ).wait()

    for b in range(NBUF):
        pltpu.sync_copy(idx_hbm.at[pl.ds(row0(b), CHUNK)], idx_bufs[b])
        fire_gathers(b, b)

    def superstep(s, carry):
        c0 = s * NBUF
        for b in range(NBUF):
            drain_gathers(b)
            pltpu.async_copy(
                rows_bufs[b],
                out_hbm.at[pl.ds(row0(c0 + b), CHUNK)],
                osems[b],
            )
            fire_idx(c0 + b + NBUF, b)
        for b in range(NBUF):
            drain_idx(b)
            drain_out(b)
            fire_gathers(c0 + b + NBUF, b)
        return carry

    lax.fori_loop(0, STEPS // NBUF - 1, superstep, 0)

    for b in range(NBUF):
        drain_gathers(b)
        pltpu.async_copy(
            rows_bufs[b],
            out_hbm.at[pl.ds(row0(STEPS - NBUF + b), CHUNK)],
            osems[b],
        )
    for b in range(NBUF):
        drain_out(b)


@jax.jit
def kernel(sentence_seqs, word_embeds):
    idx = sentence_seqs.reshape(TOTAL).astype(jnp.int32)
    mesh = plsc.VectorSubcoreMesh(core_axis_name="c", subcore_axis_name="s")
    out = pl.kernel(
        _embed_kernel,
        out_type=jax.ShapeDtypeStruct((TOTAL, EMBED_DIM), jnp.float32),
        mesh=mesh,
        scratch_types=(
            [pltpu.VMEM((CHUNK,), jnp.int32)] * NBUF
            + [pltpu.VMEM((CHUNK, EMBED_DIM), jnp.float32)] * NBUF
            + [pltpu.SemaphoreType.DMA] * (3 * NBUF)
        ),
    )(idx, word_embeds)
    return out.reshape(BATCH, HIST, EMBED_DIM)

# --- scband reference (transcript-rebuilt; emitter-appended) ---
"""Pipeline reference for scband-embeds-83562883711636 (READ-ONLY COPY).

The authoritative reference and input builder live on the scoring server;
editing this copy changes nothing except your own understanding.
"""

import jax, jax.numpy as jnp
import numpy as np

VOCAB = 100000
EMBED_DIM = 128
BATCH = 4096
HIST = 200

def setup_inputs(seed: int = 0) -> dict:
    key = jax.random.key(seed)
    k_idx, k_tab = jax.random.split(key)
    sentence_seqs = jax.random.randint(k_idx, (BATCH, HIST), 0, VOCAB, dtype=jnp.int64 if jax.config.jax_enable_x64 else jnp.int32)
    word_embeds = jax.random.normal(k_tab, (VOCAB, EMBED_DIM), dtype=jnp.float32)
    return {"sentence_seqs": sentence_seqs, "word_embeds": word_embeds}

def reference(sentence_seqs, word_embeds):
    # nn.Embedding forward: gather rows of the table by index
    embedding = jnp.take(word_embeds, sentence_seqs, axis=0)
    return embedding

if __name__ == "__main__":
    import jax
    _d = setup_inputs()
    print(jax.jit(kernel)(*tuple(_d.values())))

</pallas_src>

<mosaic_0001>
#map = affine_map<(d0, d1) -> (0)>
#map1 = affine_map<(d0, d1) -> (0, 0)>
module attributes {stable_mosaic.version = 14 : i64} {
  func.func @_embed_kernel(%arg0: i32, %arg1: i32, %arg2: memref<819200xi32, #tpu.memory_space<hbm>>, %arg3: memref<100000x128xf32, #tpu.memory_space<hbm>>, %arg4: memref<819200x128xf32, #tpu.memory_space<hbm>>, %arg5: memref<64xi32, #tpu.memory_space<vmem>>, %arg6: memref<64xi32, #tpu.memory_space<vmem>>, %arg7: memref<64xi32, #tpu.memory_space<vmem>>, %arg8: memref<64xi32, #tpu.memory_space<vmem>>, %arg9: memref<64xi32, #tpu.memory_space<vmem>>, %arg10: memref<64xi32, #tpu.memory_space<vmem>>, %arg11: memref<64xi32, #tpu.memory_space<vmem>>, %arg12: memref<64xi32, #tpu.memory_space<vmem>>, %arg13: memref<64x128xf32, #tpu.memory_space<vmem>>, %arg14: memref<64x128xf32, #tpu.memory_space<vmem>>, %arg15: memref<64x128xf32, #tpu.memory_space<vmem>>, %arg16: memref<64x128xf32, #tpu.memory_space<vmem>>, %arg17: memref<64x128xf32, #tpu.memory_space<vmem>>, %arg18: memref<64x128xf32, #tpu.memory_space<vmem>>, %arg19: memref<64x128xf32, #tpu.memory_space<vmem>>, %arg20: memref<64x128xf32, #tpu.memory_space<vmem>>, %arg21: memref<!tpu.dma_semaphore, #tpu.memory_space<semaphore_mem>>, %arg22: memref<!tpu.dma_semaphore, #tpu.memory_space<semaphore_mem>>, %arg23: memref<!tpu.dma_semaphore, #tpu.memory_space<semaphore_mem>>, %arg24: memref<!tpu.dma_semaphore, #tpu.memory_space<semaphore_mem>>, %arg25: memref<!tpu.dma_semaphore, #tpu.memory_space<semaphore_mem>>, %arg26: memref<!tpu.dma_semaphore, #tpu.memory_space<semaphore_mem>>, %arg27: memref<!tpu.dma_semaphore, #tpu.memory_space<semaphore_mem>>, %arg28: memref<!tpu.dma_semaphore, #tpu.memory_space<semaphore_mem>>, %arg29: memref<!tpu.dma_semaphore, #tpu.memory_space<semaphore_mem>>, %arg30: memref<!tpu.dma_semaphore, #tpu.memory_space<semaphore_mem>>, %arg31: memref<!tpu.dma_semaphore, #tpu.memory_space<semaphore_mem>>, %arg32: memref<!tpu.dma_semaphore, #tpu.memory_space<semaphore_mem>>, %arg33: memref<!tpu.dma_semaphore, #tpu.memory_space<semaphore_mem>>, %arg34: memref<!tpu.dma_semaphore, #tpu.memory_space<semaphore_mem>>, %arg35: memref<!tpu.dma_semaphore, #tpu.memory_space<semaphore_mem>>, %arg36: memref<!tpu.dma_semaphore, #tpu.memory_space<semaphore_mem>>, %arg37: memref<!tpu.dma_semaphore, #tpu.memory_space<semaphore_mem>>, %arg38: memref<!tpu.dma_semaphore, #tpu.memory_space<semaphore_mem>>, %arg39: memref<!tpu.dma_semaphore, #tpu.memory_space<semaphore_mem>>, %arg40: memref<!tpu.dma_semaphore, #tpu.memory_space<semaphore_mem>>, %arg41: memref<!tpu.dma_semaphore, #tpu.memory_space<semaphore_mem>>, %arg42: memref<!tpu.dma_semaphore, #tpu.memory_space<semaphore_mem>>, %arg43: memref<!tpu.dma_semaphore, #tpu.memory_space<semaphore_mem>>, %arg44: memref<!tpu.dma_semaphore, #tpu.memory_space<semaphore_mem>>) attributes {dimension_semantics = [#tpu.dimension_semantics<core_parallel>, #tpu.dimension_semantics<subcore_parallel>], iteration_bounds = array<i64: 2, 16>, scalar_prefetch = 0 : i64, scratch_operands = 40 : i64, tpu.core_type = #tpu.core_type<sc_vector_subcore>, window_params = [{transform_indices = #map}, {transform_indices = #map1}, {transform_indices = #map1}]} {
    %mul3A = arith.constant 2 : i32
    %mul3A_0 = arith.muli %arg1, %mul3A : i32
    %add3A = arith.addi %mul3A_0, %arg0 : i32
    %add3A_1 = arith.constant 0 : i32
    %add3A_2 = arith.addi %add3A_1, %add3A : i32
    %mul3A_3 = arith.constant 64 : i32
    %mul3A_4 = arith.muli %add3A_2, %mul3A_3 : i32
    "tpu.region"() ({
      %run_scoped3A = tpu.sem_alloc : memref<!tpu.dma_semaphore, #tpu.memory_space<semaphore_mem>>
      %dma_start3A_276 = tpu.memref_slice %arg2[%mul3A_4] : memref<819200xi32, #tpu.memory_space<hbm>> -> memref<64xi32, #tpu.memory_space<hbm>>
      %dma_start3A_277 = tpu.memref_slice %arg2[%mul3A_4] : memref<819200xi32, #tpu.memory_space<hbm>> -> memref<64xi32, #tpu.memory_space<hbm>>
      tpu.enqueue_dma source(%dma_start3A_277 : memref<64xi32, #tpu.memory_space<hbm>>) target(%arg5 : memref<64xi32, #tpu.memory_space<vmem>>) target_semaphore(%run_scoped3A : memref<!tpu.dma_semaphore, #tpu.memory_space<semaphore_mem>>)
      %dma_wait3A_278 = tpu.memref_slice %arg2[%mul3A_4] : memref<819200xi32, #tpu.memory_space<hbm>> -> memref<64xi32, #tpu.memory_space<hbm>>
      %dma_wait3A_279 = tpu.memref_slice %arg2[%mul3A_4] : memref<819200xi32, #tpu.memory_space<hbm>> -> memref<64xi32, #tpu.memory_space<hbm>>
      tpu.wait_dma2 semaphore(%run_scoped3A : memref<!tpu.dma_semaphore, #tpu.memory_space<semaphore_mem>>) src(%dma_wait3A_279 : memref<64xi32, #tpu.memory_space<hbm>>) dst(%arg5 : memref<64xi32, #tpu.memory_space<vmem>>)
      tpu.yield
    }) : () -> ()
    %dma_start3A = arith.constant 0 : i32
    %dma_start3A_5 = arith.constant 0 : i32
    %dma_start3A_6 = tpu.memref_slice %arg13[%dma_start3A, %dma_start3A_5] : memref<64x128xf32, #tpu.memory_space<vmem>> -> memref<64x128xf32, #tpu.memory_space<vmem>>
    %dma_start3A_7 = arith.constant 0 : i32
    %dma_start3A_8 = tpu.memref_slice %arg5[%dma_start3A_7] : memref<64xi32, #tpu.memory_space<vmem>> -> memref<64xi32, #tpu.memory_space<vmem>>
    %dma_start3A_9 = arith.constant 0 : i32
    %dma_start3A_10 = arith.constant 0 : i32
    %dma_start3A_11 = tpu.memref_slice %arg3[%dma_start3A_9, %dma_start3A_10] : memref<100000x128xf32, #tpu.memory_space<hbm>> -> memref<100000x128xf32, #tpu.memory_space<hbm>>
    tpu.enqueue_indirect_dma source(%dma_start3A_11 : memref<100000x128xf32, #tpu.memory_space<hbm>>) target(%dma_start3A_6 : memref<64x128xf32, #tpu.memory_space<vmem>>) offsets(%dma_start3A_8 : memref<64xi32, #tpu.memory_space<vmem>>) semaphore(%arg21 : memref<!tpu.dma_semaphore, #tpu.memory_space<semaphore_mem>>)
    %add3A_12 = arith.constant 32 : i32
    %add3A_13 = arith.addi %add3A_12, %add3A : i32
    %mul3A_14 = arith.constant 64 : i32
    %mul3A_15 = arith.muli %add3A_13, %mul3A_14 : i32
    "tpu.region"() ({
      %run_scoped3A = tpu.sem_alloc : memref<!tpu.dma_semaphore, #tpu.memory_space<semaphore_mem>>
      %dma_start3A_276 = tpu.memref_slice %arg2[%mul3A_15] : memref<819200xi32, #tpu.memory_space<hbm>> -> memref<64xi32, #tpu.memory_space<hbm>>
      %dma_start3A_277 = tpu.memref_slice %arg2[%mul3A_15] : memref<819200xi32, #tpu.memory_space<hbm>> -> memref<64xi32, #tpu.memory_space<hbm>>
      tpu.enqueue_dma source(%dma_start3A_277 : memref<64xi32, #tpu.memory_space<hbm>>) target(%arg6 : memref<64xi32, #tpu.memory_space<vmem>>) target_semaphore(%run_scoped3A : memref<!tpu.dma_semaphore, #tpu.memory_space<semaphore_mem>>)
      %dma_wait3A_278 = tpu.memref_slice %arg2[%mul3A_15] : memref<819200xi32, #tpu.memory_space<hbm>> -> memref<64xi32, #tpu.memory_space<hbm>>
      %dma_wait3A_279 = tpu.memref_slice %arg2[%mul3A_15] : memref<819200xi32, #tpu.memory_space<hbm>> -> memref<64xi32, #tpu.memory_space<hbm>>
      tpu.wait_dma2 semaphore(%run_scoped3A : memref<!tpu.dma_semaphore, #tpu.memory_space<semaphore_mem>>) src(%dma_wait3A_279 : memref<64xi32, #tpu.memory_space<hbm>>) dst(%arg6 : memref<64xi32, #tpu.memory_space<vmem>>)
      tpu.yield
    }) : () -> ()
    %dma_start3A_16 = arith.constant 0 : i32
    %dma_start3A_17 = arith.constant 0 : i32
    %dma_start3A_18 = tpu.memref_slice %arg14[%dma_start3A_16, %dma_start3A_17] : memref<64x128xf32, #tpu.memory_space<vmem>> -> memref<64x128xf32, #tpu.memory_space<vmem>>
    %dma_start3A_19 = arith.constant 0 : i32
    %dma_start3A_20 = tpu.memref_slice %arg6[%dma_start3A_19] : memref<64xi32, #tpu.memory_space<vmem>> -> memref<64xi32, #tpu.memory_space<vmem>>
    %dma_start3A_21 = arith.constant 0 : i32
    %dma_start3A_22 = arith.constant 0 : i32
    %dma_start3A_23 = tpu.memref_slice %arg3[%dma_start3A_21, %dma_start3A_22] : memref<100000x128xf32, #tpu.memory_space<hbm>> -> memref<100000x128xf32, #tpu.memory_space<hbm>>
    tpu.enqueue_indirect_dma source(%dma_start3A_23 : memref<100000x128xf32, #tpu.memory_space<hbm>>) target(%dma_start3A_18 : memref<64x128xf32, #tpu.memory_space<vmem>>) offsets(%dma_start3A_20 : memref<64xi32, #tpu.memory_space<vmem>>) semaphore(%arg22 : memref<!tpu.dma_semaphore, #tpu.memory_space<semaphore_mem>>)
    %add3A_24 = arith.constant 64 : i32
    %add3A_25 = arith.addi %add3A_24, %add3A : i32
    %mul3A_26 = arith.constant 64 : i32
    %mul3A_27 = arith.muli %add3A_25, %mul3A_26 : i32
    "tpu.region"() ({
      %run_scoped3A = tpu.sem_alloc : memref<!tpu.dma_semaphore, #tpu.memory_space<semaphore_mem>>
      %dma_start3A_276 = tpu.memref_slice %arg2[%mul3A_27] : memref<819200xi32, #tpu.memory_space<hbm>> -> memref<64xi32, #tpu.memory_space<hbm>>
      %dma_start3A_277 = tpu.memref_slice %arg2[%mul3A_27] : memref<819200xi32, #tpu.memory_space<hbm>> -> memref<64xi32, #tpu.memory_space<hbm>>
      tpu.enqueue_dma source(%dma_start3A_277 : memref<64xi32, #tpu.memory_space<hbm>>) target(%arg7 : memref<64xi32, #tpu.memory_space<vmem>>) target_semaphore(%run_scoped3A : memref<!tpu.dma_semaphore, #tpu.memory_space<semaphore_mem>>)
      %dma_wait3A_278 = tpu.memref_slice %arg2[%mul3A_27] : memref<819200xi32, #tpu.memory_space<hbm>> -> memref<64xi32, #tpu.memory_space<hbm>>
      %dma_wait3A_279 = tpu.memref_slice %arg2[%mul3A_27] : memref<819200xi32, #tpu.memory_space<hbm>> -> memref<64xi32, #tpu.memory_space<hbm>>
      tpu.wait_dma2 semaphore(%run_scoped3A : memref<!tpu.dma_semaphore, #tpu.memory_space<semaphore_mem>>) src(%dma_wait3A_279 : memref<64xi32, #tpu.memory_space<hbm>>) dst(%arg7 : memref<64xi32, #tpu.memory_space<vmem>>)
      tpu.yield
    }) : () -> ()
    %dma_start3A_28 = arith.constant 0 : i32
    %dma_start3A_29 = arith.constant 0 : i32
    %dma_start3A_30 = tpu.memref_slice %arg15[%dma_start3A_28, %dma_start3A_29] : memref<64x128xf32, #tpu.memory_space<vmem>> -> memref<64x128xf32, #tpu.memory_space<vmem>>
    %dma_start3A_31 = arith.constant 0 : i32
    %dma_start3A_32 = tpu.memref_slice %arg7[%dma_start3A_31] : memref<64xi32, #tpu.memory_space<vmem>> -> memref<64xi32, #tpu.memory_space<vmem>>
    %dma_start3A_33 = arith.constant 0 : i32
    %dma_start3A_34 = arith.constant 0 : i32
    %dma_start3A_35 = tpu.memref_slice %arg3[%dma_start3A_33, %dma_start3A_34] : memref<100000x128xf32, #tpu.memory_space<hbm>> -> memref<100000x128xf32, #tpu.memory_space<hbm>>
    tpu.enqueue_indirect_dma source(%dma_start3A_35 : memref<100000x128xf32, #tpu.memory_space<hbm>>) target(%dma_start3A_30 : memref<64x128xf32, #tpu.memory_space<vmem>>) offsets(%dma_start3A_32 : memref<64xi32, #tpu.memory_space<vmem>>) semaphore(%arg23 : memref<!tpu.dma_semaphore, #tpu.memory_space<semaphore_mem>>)
    %add3A_36 = arith.constant 96 : i32
    %add3A_37 = arith.addi %add3A_36, %add3A : i32
    %mul3A_38 = arith.constant 64 : i32
    %mul3A_39 = arith.muli %add3A_37, %mul3A_38 : i32
    "tpu.region"() ({
      %run_scoped3A = tpu.sem_alloc : memref<!tpu.dma_semaphore, #tpu.memory_space<semaphore_mem>>
      %dma_start3A_276 = tpu.memref_slice %arg2[%mul3A_39] : memref<819200xi32, #tpu.memory_space<hbm>> -> memref<64xi32, #tpu.memory_space<hbm>>
      %dma_start3A_277 = tpu.memref_slice %arg2[%mul3A_39] : memref<819200xi32, #tpu.memory_space<hbm>> -> memref<64xi32, #tpu.memory_space<hbm>>
      tpu.enqueue_dma source(%dma_start3A_277 : memref<64xi32, #tpu.memory_space<hbm>>) target(%arg8 : memref<64xi32, #tpu.memory_space<vmem>>) target_semaphore(%run_scoped3A : memref<!tpu.dma_semaphore, #tpu.memory_space<semaphore_mem>>)
      %dma_wait3A_278 = tpu.memref_slice %arg2[%mul3A_39] : memref<819200xi32, #tpu.memory_space<hbm>> -> memref<64xi32, #tpu.memory_space<hbm>>
      %dma_wait3A_279 = tpu.memref_slice %arg2[%mul3A_39] : memref<819200xi32, #tpu.memory_space<hbm>> -> memref<64xi32, #tpu.memory_space<hbm>>
      tpu.wait_dma2 semaphore(%run_scoped3A : memref<!tpu.dma_semaphore, #tpu.memory_space<semaphore_mem>>) src(%dma_wait3A_279 : memref<64xi32, #tpu.memory_space<hbm>>) dst(%arg8 : memref<64xi32, #tpu.memory_space<vmem>>)
      tpu.yield
    }) : () -> ()
    %dma_start3A_40 = arith.constant 0 : i32
    %dma_start3A_41 = arith.constant 0 : i32
    %dma_start3A_42 = tpu.memref_slice %arg16[%dma_start3A_40, %dma_start3A_41] : memref<64x128xf32, #tpu.memory_space<vmem>> -> memref<64x128xf32, #tpu.memory_space<vmem>>
    %dma_start3A_43 = arith.constant 0 : i32
    %dma_start3A_44 = tpu.memref_slice %arg8[%dma_start3A_43] : memref<64xi32, #tpu.memory_space<vmem>> -> memref<64xi32, #tpu.memory_space<vmem>>
    %dma_start3A_45 = arith.constant 0 : i32
    %dma_start3A_46 = arith.constant 0 : i32
    %dma_start3A_47 = tpu.memref_slice %arg3[%dma_start3A_45, %dma_start3A_46] : memref<100000x128xf32, #tpu.memory_space<hbm>> -> memref<100000x128xf32, #tpu.memory_space<hbm>>
    tpu.enqueue_indirect_dma source(%dma_start3A_47 : memref<100000x128xf32, #tpu.memory_space<hbm>>) target(%dma_start3A_42 : memref<64x128xf32, #tpu.memory_space<vmem>>) offsets(%dma_start3A_44 : memref<64xi32, #tpu.memory_space<vmem>>) semaphore(%arg24 : memref<!tpu.dma_semaphore, #tpu.memory_space<semaphore_mem>>)
    %add3A_48 = arith.constant 128 : i32
    %add3A_49 = arith.addi %add3A_48, %add3A : i32
    %mul3A_50 = arith.constant 64 : i32
    %mul3A_51 = arith.muli %add3A_49, %mul3A_50 : i32
    "tpu.region"() ({
      %run_scoped3A = tpu.sem_alloc : memref<!tpu.dma_semaphore, #tpu.memory_space<semaphore_mem>>
      %dma_start3A_276 = tpu.memref_slice %arg2[%mul3A_51] : memref<819200xi32, #tpu.memory_space<hbm>> -> memref<64xi32, #tpu.memory_space<hbm>>
      %dma_start3A_277 = tpu.memref_slice %arg2[%mul3A_51] : memref<819200xi32, #tpu.memory_space<hbm>> -> memref<64xi32, #tpu.memory_space<hbm>>
      tpu.enqueue_dma source(%dma_start3A_277 : memref<64xi32, #tpu.memory_space<hbm>>) target(%arg9 : memref<64xi32, #tpu.memory_space<vmem>>) target_semaphore(%run_scoped3A : memref<!tpu.dma_semaphore, #tpu.memory_space<semaphore_mem>>)
      %dma_wait3A_278 = tpu.memref_slice %arg2[%mul3A_51] : memref<819200xi32, #tpu.memory_space<hbm>> -> memref<64xi32, #tpu.memory_space<hbm>>
      %dma_wait3A_279 = tpu.memref_slice %arg2[%mul3A_51] : memref<819200xi32, #tpu.memory_space<hbm>> -> memref<64xi32, #tpu.memory_space<hbm>>
      tpu.wait_dma2 semaphore(%run_scoped3A : memref<!tpu.dma_semaphore, #tpu.memory_space<semaphore_mem>>) src(%dma_wait3A_279 : memref<64xi32, #tpu.memory_space<hbm>>) dst(%arg9 : memref<64xi32, #tpu.memory_space<vmem>>)
      tpu.yield
    }) : () -> ()
    %dma_start3A_52 = arith.constant 0 : i32
    %dma_start3A_53 = arith.constant 0 : i32
    %dma_start3A_54 = tpu.memref_slice %arg17[%dma_start3A_52, %dma_start3A_53] : memref<64x128xf32, #tpu.memory_space<vmem>> -> memref<64x128xf32, #tpu.memory_space<vmem>>
    %dma_start3A_55 = arith.constant 0 : i32
    %dma_start3A_56 = tpu.memref_slice %arg9[%dma_start3A_55] : memref<64xi32, #tpu.memory_space<vmem>> -> memref<64xi32, #tpu.memory_space<vmem>>
    %dma_start3A_57 = arith.constant 0 : i32
    %dma_start3A_58 = arith.constant 0 : i32
    %dma_start3A_59 = tpu.memref_slice %arg3[%dma_start3A_57, %dma_start3A_58] : memref<100000x128xf32, #tpu.memory_space<hbm>> -> memref<100000x128xf32, #tpu.memory_space<hbm>>
    tpu.enqueue_indirect_dma source(%dma_start3A_59 : memref<100000x128xf32, #tpu.memory_space<hbm>>) target(%dma_start3A_54 : memref<64x128xf32, #tpu.memory_space<vmem>>) offsets(%dma_start3A_56 : memref<64xi32, #tpu.memory_space<vmem>>) semaphore(%arg25 : memref<!tpu.dma_semaphore, #tpu.memory_space<semaphore_mem>>)
    %add3A_60 = arith.constant 160 : i32
    %add3A_61 = arith.addi %add3A_60, %add3A : i32
    %mul3A_62 = arith.constant 64 : i32
    %mul3A_63 = arith.muli %add3A_61, %mul3A_62 : i32
    "tpu.region"() ({
      %run_scoped3A = tpu.sem_alloc : memref<!tpu.dma_semaphore, #tpu.memory_space<semaphore_mem>>
      %dma_start3A_276 = tpu.memref_slice %arg2[%mul3A_63] : memref<819200xi32, #tpu.memory_space<hbm>> -> memref<64xi32, #tpu.memory_space<hbm>>
      %dma_start3A_277 = tpu.memref_slice %arg2[%mul3A_63] : memref<819200xi32, #tpu.memory_space<hbm>> -> memref<64xi32, #tpu.memory_space<hbm>>
      tpu.enqueue_dma source(%dma_start3A_277 : memref<64xi32, #tpu.memory_space<hbm>>) target(%arg10 : memref<64xi32, #tpu.memory_space<vmem>>) target_semaphore(%run_scoped3A : memref<!tpu.dma_semaphore, #tpu.memory_space<semaphore_mem>>)
      %dma_wait3A_278 = tpu.memref_slice %arg2[%mul3A_63] : memref<819200xi32, #tpu.memory_space<hbm>> -> memref<64xi32, #tpu.memory_space<hbm>>
      %dma_wait3A_279 = tpu.memref_slice %arg2[%mul3A_63] : memref<819200xi32, #tpu.memory_space<hbm>> -> memref<64xi32, #tpu.memory_space<hbm>>
      tpu.wait_dma2 semaphore(%run_scoped3A : memref<!tpu.dma_semaphore, #tpu.memory_space<semaphore_mem>>) src(%dma_wait3A_279 : memref<64xi32, #tpu.memory_space<hbm>>) dst(%arg10 : memref<64xi32, #tpu.memory_space<vmem>>)
      tpu.yield
    }) : () -> ()
    %dma_start3A_64 = arith.constant 0 : i32
    %dma_start3A_65 = arith.constant 0 : i32
    %dma_start3A_66 = tpu.memref_slice %arg18[%dma_start3A_64, %dma_start3A_65] : memref<64x128xf32, #tpu.memory_space<vmem>> -> memref<64x128xf32, #tpu.memory_space<vmem>>
    %dma_start3A_67 = arith.constant 0 : i32
    %dma_start3A_68 = tpu.memref_slice %arg10[%dma_start3A_67] : memref<64xi32, #tpu.memory_space<vmem>> -> memref<64xi32, #tpu.memory_space<vmem>>
    %dma_start3A_69 = arith.constant 0 : i32
    %dma_start3A_70 = arith.constant 0 : i32
    %dma_start3A_71 = tpu.memref_slice %arg3[%dma_start3A_69, %dma_start3A_70] : memref<100000x128xf32, #tpu.memory_space<hbm>> -> memref<100000x128xf32, #tpu.memory_space<hbm>>
    tpu.enqueue_indirect_dma source(%dma_start3A_71 : memref<100000x128xf32, #tpu.memory_space<hbm>>) target(%dma_start3A_66 : memref<64x128xf32, #tpu.memory_space<vmem>>) offsets(%dma_start3A_68 : memref<64xi32, #tpu.memory_space<vmem>>) semaphore(%arg26 : memref<!tpu.dma_semaphore, #tpu.memory_space<semaphore_mem>>)
    %add3A_72 = arith.constant 192 : i32
    %add3A_73 = arith.addi %add3A_72, %add3A : i32
    %mul3A_74 = arith.constant 64 : i32
    %mul3A_75 = arith.muli %add3A_73, %mul3A_74 : i32
    "tpu.region"() ({
      %run_scoped3A = tpu.sem_alloc : memref<!tpu.dma_semaphore, #tpu.memory_space<semaphore_mem>>
      %dma_start3A_276 = tpu.memref_slice %arg2[%mul3A_75] : memref<819200xi32, #tpu.memory_space<hbm>> -> memref<64xi32, #tpu.memory_space<hbm>>
      %dma_start3A_277 = tpu.memref_slice %arg2[%mul3A_75] : memref<819200xi32, #tpu.memory_space<hbm>> -> memref<64xi32, #tpu.memory_space<hbm>>
      tpu.enqueue_dma source(%dma_start3A_277 : memref<64xi32, #tpu.memory_space<hbm>>) target(%arg11 : memref<64xi32, #tpu.memory_space<vmem>>) target_semaphore(%run_scoped3A : memref<!tpu.dma_semaphore, #tpu.memory_space<semaphore_mem>>)
      %dma_wait3A_278 = tpu.memref_slice %arg2[%mul3A_75] : memref<819200xi32, #tpu.memory_space<hbm>> -> memref<64xi32, #tpu.memory_space<hbm>>
      %dma_wait3A_279 = tpu.memref_slice %arg2[%mul3A_75] : memref<819200xi32, #tpu.memory_space<hbm>> -> memref<64xi32, #tpu.memory_space<hbm>>
      tpu.wait_dma2 semaphore(%run_scoped3A : memref<!tpu.dma_semaphore, #tpu.memory_space<semaphore_mem>>) src(%dma_wait3A_279 : memref<64xi32, #tpu.memory_space<hbm>>) dst(%arg11 : memref<64xi32, #tpu.memory_space<vmem>>)
      tpu.yield
    }) : () -> ()
    %dma_start3A_76 = arith.constant 0 : i32
    %dma_start3A_77 = arith.constant 0 : i32
    %dma_start3A_78 = tpu.memref_slice %arg19[%dma_start3A_76, %dma_start3A_77] : memref<64x128xf32, #tpu.memory_space<vmem>> -> memref<64x128xf32, #tpu.memory_space<vmem>>
    %dma_start3A_79 = arith.constant 0 : i32
    %dma_start3A_80 = tpu.memref_slice %arg11[%dma_start3A_79] : memref<64xi32, #tpu.memory_space<vmem>> -> memref<64xi32, #tpu.memory_space<vmem>>
    %dma_start3A_81 = arith.constant 0 : i32
    %dma_start3A_82 = arith.constant 0 : i32
    %dma_start3A_83 = tpu.memref_slice %arg3[%dma_start3A_81, %dma_start3A_82] : memref<100000x128xf32, #tpu.memory_space<hbm>> -> memref<100000x128xf32, #tpu.memory_space<hbm>>
    tpu.enqueue_indirect_dma source(%dma_start3A_83 : memref<100000x128xf32, #tpu.memory_space<hbm>>) target(%dma_start3A_78 : memref<64x128xf32, #tpu.memory_space<vmem>>) offsets(%dma_start3A_80 : memref<64xi32, #tpu.memory_space<vmem>>) semaphore(%arg27 : memref<!tpu.dma_semaphore, #tpu.memory_space<semaphore_mem>>)
    %add3A_84 = arith.constant 224 : i32
    %add3A_85 = arith.addi %add3A_84, %add3A : i32
    %mul3A_86 = arith.constant 64 : i32
    %mul3A_87 = arith.muli %add3A_85, %mul3A_86 : i32
    "tpu.region"() ({
      %run_scoped3A = tpu.sem_alloc : memref<!tpu.dma_semaphore, #tpu.memory_space<semaphore_mem>>
      %dma_start3A_276 = tpu.memref_slice %arg2[%mul3A_87] : memref<819200xi32, #tpu.memory_space<hbm>> -> memref<64xi32, #tpu.memory_space<hbm>>
      %dma_start3A_277 = tpu.memref_slice %arg2[%mul3A_87] : memref<819200xi32, #tpu.memory_space<hbm>> -> memref<64xi32, #tpu.memory_space<hbm>>
      tpu.enqueue_dma source(%dma_start3A_277 : memref<64xi32, #tpu.memory_space<hbm>>) target(%arg12 : memref<64xi32, #tpu.memory_space<vmem>>) target_semaphore(%run_scoped3A : memref<!tpu.dma_semaphore, #tpu.memory_space<semaphore_mem>>)
      %dma_wait3A_278 = tpu.memref_slice %arg2[%mul3A_87] : memref<819200xi32, #tpu.memory_space<hbm>> -> memref<64xi32, #tpu.memory_space<hbm>>
      %dma_wait3A_279 = tpu.memref_slice %arg2[%mul3A_87] : memref<819200xi32, #tpu.memory_space<hbm>> -> memref<64xi32, #tpu.memory_space<hbm>>
      tpu.wait_dma2 semaphore(%run_scoped3A : memref<!tpu.dma_semaphore, #tpu.memory_space<semaphore_mem>>) src(%dma_wait3A_279 : memref<64xi32, #tpu.memory_space<hbm>>) dst(%arg12 : memref<64xi32, #tpu.memory_space<vmem>>)
      tpu.yield
    }) : () -> ()
    %dma_start3A_88 = arith.constant 0 : i32
    %dma_start3A_89 = arith.constant 0 : i32
    %dma_start3A_90 = tpu.memref_slice %arg20[%dma_start3A_88, %dma_start3A_89] : memref<64x128xf32, #tpu.memory_space<vmem>> -> memref<64x128xf32, #tpu.memory_space<vmem>>
    %dma_start3A_91 = arith.constant 0 : i32
    %dma_start3A_92 = tpu.memref_slice %arg12[%dma_start3A_91] : memref<64xi32, #tpu.memory_space<vmem>> -> memref<64xi32, #tpu.memory_space<vmem>>
    %dma_start3A_93 = arith.constant 0 : i32
    %dma_start3A_94 = arith.constant 0 : i32
    %dma_start3A_95 = tpu.memref_slice %arg3[%dma_start3A_93, %dma_start3A_94] : memref<100000x128xf32, #tpu.memory_space<hbm>> -> memref<100000x128xf32, #tpu.memory_space<hbm>>
    tpu.enqueue_indirect_dma source(%dma_start3A_95 : memref<100000x128xf32, #tpu.memory_space<hbm>>) target(%dma_start3A_90 : memref<64x128xf32, #tpu.memory_space<vmem>>) offsets(%dma_start3A_92 : memref<64xi32, #tpu.memory_space<vmem>>) semaphore(%arg28 : memref<!tpu.dma_semaphore, #tpu.memory_space<semaphore_mem>>)
    %scan3A = arith.constant 0 : i32
    %scan3A_96 = arith.constant 0 : i32
    %scan3A_97 = arith.constant 49 : i32
    %scan3A_98 = arith.addi %scan3A_96, %scan3A_97 : i32
    %scan3A_99 = arith.constant 1 : i32
    scf.for %scan3A_276 = %scan3A_96 to %scan3A_98 step %scan3A_99  : i32 {
      %mul3A_277 = arith.constant 8 : i32
      %mul3A_278 = arith.muli %scan3A_276, %mul3A_277 : i32
      %dma_wait3A_279 = arith.constant 0 : i32
      %dma_wait3A_280 = arith.constant 0 : i32
      %dma_wait3A_281 = tpu.memref_slice %arg13[%dma_wait3A_279, %dma_wait3A_280] : memref<64x128xf32, #tpu.memory_space<vmem>> -> memref<64x128xf32, #tpu.memory_space<vmem>>
      %dma_wait3A_282 = arith.constant 0 : i32
      %dma_wait3A_283 = tpu.memref_slice %arg5[%dma_wait3A_282] : memref<64xi32, #tpu.memory_space<vmem>> -> memref<64xi32, #tpu.memory_space<vmem>>
      %dma_wait3A_284 = arith.constant 0 : i32
      %dma_wait3A_285 = arith.constant 0 : i32
      %dma_wait3A_286 = tpu.memref_slice %arg3[%dma_wait3A_284, %dma_wait3A_285] : memref<100000x128xf32, #tpu.memory_space<hbm>> -> memref<100000x128xf32, #tpu.memory_space<hbm>>
      tpu.wait_indirect_dma semaphore(%arg21 : memref<!tpu.dma_semaphore, #tpu.memory_space<semaphore_mem>>) src(%dma_wait3A_286 : memref<100000x128xf32, #tpu.memory_space<hbm>>) dst(%dma_wait3A_281 : memref<64x128xf32, #tpu.memory_space<vmem>>)
      %add3A_287 = arith.constant 0 : i32
      %add3A_288 = arith.addi %mul3A_278, %add3A_287 : i32
      %mul3A_289 = arith.constant 32 : i32
      %mul3A_290 = arith.muli %add3A_288, %mul3A_289 : i32
      %add3A_291 = arith.addi %mul3A_290, %add3A : i32
      %mul3A_292 = arith.constant 64 : i32
      %mul3A_293 = arith.muli %add3A_291, %mul3A_292 : i32
      %dma_start3A_294 = arith.constant 0 : i32
      %dma_start3A_295 = tpu.memref_slice %arg4[%mul3A_293, %dma_start3A_294] : memref<819200x128xf32, #tpu.memory_space<hbm>> -> memref<64x128xf32, #tpu.memory_space<hbm>>
      %dma_start3A_296 = arith.constant 0 : i32
      %dma_start3A_297 = tpu.memref_slice %arg4[%mul3A_293, %dma_start3A_296] : memref<819200x128xf32, #tpu.memory_space<hbm>> -> memref<64x128xf32, #tpu.memory_space<hbm>>
      tpu.enqueue_dma source(%arg13 : memref<64x128xf32, #tpu.memory_space<vmem>>) target(%dma_start3A_297 : memref<64x128xf32, #tpu.memory_space<hbm>>) target_semaphore(%arg29 : memref<!tpu.dma_semaphore, #tpu.memory_space<semaphore_mem>>)
      %add3A_298 = arith.constant 0 : i32
      %add3A_299 = arith.addi %mul3A_278, %add3A_298 : i32
      %add3A_300 = arith.constant 8 : i32
      %add3A_301 = arith.addi %add3A_299, %add3A_300 : i32
      %mul3A_302 = arith.constant 32 : i32
      %mul3A_303 = arith.muli %add3A_301, %mul3A_302 : i32
      %add3A_304 = arith.addi %mul3A_303, %add3A : i32
      %mul3A_305 = arith.constant 64 : i32
      %mul3A_306 = arith.muli %add3A_304, %mul3A_305 : i32
      %dma_start3A_307 = tpu.memref_slice %arg2[%mul3A_306] : memref<819200xi32, #tpu.memory_space<hbm>> -> memref<64xi32, #tpu.memory_space<hbm>>
      %dma_start3A_308 = tpu.memref_slice %arg2[%mul3A_306] : memref<819200xi32, #tpu.memory_space<hbm>> -> memref<64xi32, #tpu.memory_space<hbm>>
      tpu.enqueue_dma source(%dma_start3A_308 : memref<64xi32, #tpu.memory_space<hbm>>) target(%arg5 : memref<64xi32, #tpu.memory_space<vmem>>) target_semaphore(%arg37 : memref<!tpu.dma_semaphore, #tpu.memory_space<semaphore_mem>>)
      %dma_wait3A_309 = arith.constant 0 : i32
      %dma_wait3A_310 = arith.constant 0 : i32
      %dma_wait3A_311 = tpu.memref_slice %arg14[%dma_wait3A_309, %dma_wait3A_310] : memref<64x128xf32, #tpu.memory_space<vmem>> -> memref<64x128xf32, #tpu.memory_space<vmem>>
      %dma_wait3A_312 = arith.constant 0 : i32
      %dma_wait3A_313 = tpu.memref_slice %arg6[%dma_wait3A_312] : memref<64xi32, #tpu.memory_space<vmem>> -> memref<64xi32, #tpu.memory_space<vmem>>
      %dma_wait3A_314 = arith.constant 0 : i32
      %dma_wait3A_315 = arith.constant 0 : i32
      %dma_wait3A_316 = tpu.memref_slice %arg3[%dma_wait3A_314, %dma_wait3A_315] : memref<100000x128xf32, #tpu.memory_space<hbm>> -> memref<100000x128xf32, #tpu.memory_space<hbm>>
      tpu.wait_indirect_dma semaphore(%arg22 : memref<!tpu.dma_semaphore, #tpu.memory_space<semaphore_mem>>) src(%dma_wait3A_316 : memref<100000x128xf32, #tpu.memory_space<hbm>>) dst(%dma_wait3A_311 : memref<64x128xf32, #tpu.memory_space<vmem>>)
      %add3A_317 = arith.constant 1 : i32
      %add3A_318 = arith.addi %mul3A_278, %add3A_317 : i32
      %mul3A_319 = arith.constant 32 : i32
      %mul3A_320 = arith.muli %add3A_318, %mul3A_319 : i32
      %add3A_321 = arith.addi %mul3A_320, %add3A : i32
      %mul3A_322 = arith.constant 64 : i32
      %mul3A_323 = arith.muli %add3A_321, %mul3A_322 : i32
      %dma_start3A_324 = arith.constant 0 : i32
      %dma_start3A_325 = tpu.memref_slice %arg4[%mul3A_323, %dma_start3A_324] : memref<819200x128xf32, #tpu.memory_space<hbm>> -> memref<64x128xf32, #tpu.memory_space<hbm>>
      %dma_start3A_326 = arith.constant 0 : i32
      %dma_start3A_327 = tpu.memref_slice %arg4[%mul3A_323, %dma_start3A_326] : memref<819200x128xf32, #tpu.memory_space<hbm>> -> memref<64x128xf32, #tpu.memory_space<hbm>>
      tpu.enqueue_dma source(%arg14 : memref<64x128xf32, #tpu.memory_space<vmem>>) target(%dma_start3A_327 : memref<64x128xf32, #tpu.memory_space<hbm>>) target_semaphore(%arg30 : memref<!tpu.dma_semaphore, #tpu.memory_space<semaphore_mem>>)
      %add3A_328 = arith.constant 1 : i32
      %add3A_329 = arith.addi %mul3A_278, %add3A_328 : i32
      %add3A_330 = arith.constant 8 : i32
      %add3A_331 = arith.addi %add3A_329, %add3A_330 : i32
      %mul3A_332 = arith.constant 32 : i32
      %mul3A_333 = arith.muli %add3A_331, %mul3A_332 : i32
      %add3A_334 = arith.addi %mul3A_333, %add3A : i32
      %mul3A_335 = arith.constant 64 : i32
      %mul3A_336 = arith.muli %add3A_334, %mul3A_335 : i32
      %dma_start3A_337 = tpu.memref_slice %arg2[%mul3A_336] : memref<819200xi32, #tpu.memory_space<hbm>> -> memref<64xi32, #tpu.memory_space<hbm>>
      %dma_start3A_338 = tpu.memref_slice %arg2[%mul3A_336] : memref<819200xi32, #tpu.memory_space<hbm>> -> memref<64xi32, #tpu.memory_space<hbm>>
      tpu.enqueue_dma source(%dma_start3A_338 : memref<64xi32, #tpu.memory_space<hbm>>) target(%arg6 : memref<64xi32, #tpu.memory_space<vmem>>) target_semaphore(%arg38 : memref<!tpu.dma_semaphore, #tpu.memory_space<semaphore_mem>>)
      %dma_wait3A_339 = arith.constant 0 : i32
      %dma_wait3A_340 = arith.constant 0 : i32
      %dma_wait3A_341 = tpu.memref_slice %arg15[%dma_wait3A_339, %dma_wait3A_340] : memref<64x128xf32, #tpu.memory_space<vmem>> -> memref<64x128xf32, #tpu.memory_space<vmem>>
      %dma_wait3A_342 = arith.constant 0 : i32
      %dma_wait3A_343 = tpu.memref_slice %arg7[%dma_wait3A_342] : memref<64xi32, #tpu.memory_space<vmem>> -> memref<64xi32, #tpu.memory_space<vmem>>
      %dma_wait3A_344 = arith.constant 0 : i32
      %dma_wait3A_345 = arith.constant 0 : i32
      %dma_wait3A_346 = tpu.memref_slice %arg3[%dma_wait3A_344, %dma_wait3A_345] : memref<100000x128xf32, #tpu.memory_space<hbm>> -> memref<100000x128xf32, #tpu.memory_space<hbm>>
      tpu.wait_indirect_dma semaphore(%arg23 : memref<!tpu.dma_semaphore, #tpu.memory_space<semaphore_mem>>) src(%dma_wait3A_346 : memref<100000x128xf32, #tpu.memory_space<hbm>>) dst(%dma_wait3A_341 : memref<64x128xf32, #tpu.memory_space<vmem>>)
      %add3A_347 = arith.constant 2 : i32
      %add3A_348 = arith.addi %mul3A_278, %add3A_347 : i32
      %mul3A_349 = arith.constant 32 : i32
      %mul3A_350 = arith.muli %add3A_348, %mul3A_349 : i32
      %add3A_351 = arith.addi %mul3A_350, %add3A : i32
      %mul3A_352 = arith.constant 64 : i32
      %mul3A_353 = arith.muli %add3A_351, %mul3A_352 : i32
      %dma_start3A_354 = arith.constant 0 : i32
      %dma_start3A_355 = tpu.memref_slice %arg4[%mul3A_353, %dma_start3A_354] : memref<819200x128xf32, #tpu.memory_space<hbm>> -> memref<64x128xf32, #tpu.memory_space<hbm>>
      %dma_start3A_356 = arith.constant 0 : i32
      %dma_start3A_357 = tpu.memref_slice %arg4[%mul3A_353, %dma_start3A_356] : memref<819200x128xf32, #tpu.memory_space<hbm>> -> memref<64x128xf32, #tpu.memory_space<hbm>>
      tpu.enqueue_dma source(%arg15 : memref<64x128xf32, #tpu.memory_space<vmem>>) target(%dma_start3A_357 : memref<64x128xf32, #tpu.memory_space<hbm>>) target_semaphore(%arg31 : memref<!tpu.dma_semaphore, #tpu.memory_space<semaphore_mem>>)
      %add3A_358 = arith.constant 2 : i32
      %add3A_359 = arith.addi %mul3A_278, %add3A_358 : i32
      %add3A_360 = arith.constant 8 : i32
      %add3A_361 = arith.addi %add3A_359, %add3A_360 : i32
      %mul3A_362 = arith.constant 32 : i32
      %mul3A_363 = arith.muli %add3A_361, %mul3A_362 : i32
      %add3A_364 = arith.addi %mul3A_363, %add3A : i32
      %mul3A_365 = arith.constant 64 : i32
      %mul3A_366 = arith.muli %add3A_364, %mul3A_365 : i32
      %dma_start3A_367 = tpu.memref_slice %arg2[%mul3A_366] : memref<819200xi32, #tpu.memory_space<hbm>> -> memref<64xi32, #tpu.memory_space<hbm>>
      %dma_start3A_368 = tpu.memref_slice %arg2[%mul3A_366] : memref<819200xi32, #tpu.memory_space<hbm>> -> memref<64xi32, #tpu.memory_space<hbm>>
      tpu.enqueue_dma source(%dma_start3A_368 : memref<64xi32, #tpu.memory_space<hbm>>) target(%arg7 : memref<64xi32, #tpu.memory_space<vmem>>) target_semaphore(%arg39 : memref<!tpu.dma_semaphore, #tpu.memory_space<semaphore_mem>>)
      %dma_wait3A_369 = arith.constant 0 : i32
      %dma_wait3A_370 = arith.constant 0 : i32
      %dma_wait3A_371 = tpu.memref_slice %arg16[%dma_wait3A_369, %dma_wait3A_370] : memref<64x128xf32, #tpu.memory_space<vmem>> -> memref<64x128xf32, #tpu.memory_space<vmem>>
      %dma_wait3A_372 = arith.constant 0 : i32
      %dma_wait3A_373 = tpu.memref_slice %arg8[%dma_wait3A_372] : memref<64xi32, #tpu.memory_space<vmem>> -> memref<64xi32, #tpu.memory_space<vmem>>
      %dma_wait3A_374 = arith.constant 0 : i32
      %dma_wait3A_375 = arith.constant 0 : i32
      %dma_wait3A_376 = tpu.memref_slice %arg3[%dma_wait3A_374, %dma_wait3A_375] : memref<100000x128xf32, #tpu.memory_space<hbm>> -> memref<100000x128xf32, #tpu.memory_space<hbm>>
      tpu.wait_indirect_dma semaphore(%arg24 : memref<!tpu.dma_semaphore, #tpu.memory_space<semaphore_mem>>) src(%dma_wait3A_376 : memref<100000x128xf32, #tpu.memory_space<hbm>>) dst(%dma_wait3A_371 : memref<64x128xf32, #tpu.memory_space<vmem>>)
      %add3A_377 = arith.constant 3 : i32
      %add3A_378 = arith.addi %mul3A_278, %add3A_377 : i32
      %mul3A_379 = arith.constant 32 : i32
      %mul3A_380 = arith.muli %add3A_378, %mul3A_379 : i32
      %add3A_381 = arith.addi %mul3A_380, %add3A : i32
      %mul3A_382 = arith.constant 64 : i32
      %mul3A_383 = arith.muli %add3A_381, %mul3A_382 : i32
      %dma_start3A_384 = arith.constant 0 : i32
      %dma_start3A_385 = tpu.memref_slice %arg4[%mul3A_383, %dma_start3A_384] : memref<819200x128xf32, #tpu.memory_space<hbm>> -> memref<64x128xf32, #tpu.memory_space<hbm>>
      %dma_start3A_386 = arith.constant 0 : i32
      %dma_start3A_387 = tpu.memref_slice %arg4[%mul3A_383, %dma_start3A_386] : memref<819200x128xf32, #tpu.memory_space<hbm>> -> memref<64x128xf32, #tpu.memory_space<hbm>>
      tpu.enqueue_dma source(%arg16 : memref<64x128xf32, #tpu.memory_space<vmem>>) target(%dma_start3A_387 : memref<64x128xf32, #tpu.memory_space<hbm>>) target_semaphore(%arg32 : memref<!tpu.dma_semaphore, #tpu.memory_space<semaphore_mem>>)
      %add3A_388 = arith.constant 3 : i32
      %add3A_389 = arith.addi %mul3A_278, %add3A_388 : i32
      %add3A_390 = arith.constant 8 : i32
      %add3A_391 = arith.addi %add3A_389, %add3A_390 : i32
      %mul3A_392 = arith.constant 32 : i32
      %mul3A_393 = arith.muli %add3A_391, %mul3A_392 : i32
      %add3A_394 = arith.addi %mul3A_393, %add3A : i32
      %mul3A_395 = arith.constant 64 : i32
      %mul3A_396 = arith.muli %add3A_394, %mul3A_395 : i32
      %dma_start3A_397 = tpu.memref_slice %arg2[%mul3A_396] : memref<819200xi32, #tpu.memory_space<hbm>> -> memref<64xi32, #tpu.memory_space<hbm>>
      %dma_start3A_398 = tpu.memref_slice %arg2[%mul3A_396] : memref<819200xi32, #tpu.memory_space<hbm>> -> memref<64xi32, #tpu.memory_space<hbm>>
      tpu.enqueue_dma source(%dma_start3A_398 : memref<64xi32, #tpu.memory_space<hbm>>) target(%arg8 : memref<64xi32, #tpu.memory_space<vmem>>) target_semaphore(%arg40 : memref<!tpu.dma_semaphore, #tpu.memory_space<semaphore_mem>>)
      %dma_wait3A_399 = arith.constant 0 : i32
      %dma_wait3A_400 = arith.constant 0 : i32
      %dma_wait3A_401 = tpu.memref_slice %arg17[%dma_wait3A_399, %dma_wait3A_400] : memref<64x128xf32, #tpu.memory_space<vmem>> -> memref<64x128xf32, #tpu.memory_space<vmem>>
      %dma_wait3A_402 = arith.constant 0 : i32
      %dma_wait3A_403 = tpu.memref_slice %arg9[%dma_wait3A_402] : memref<64xi32, #tpu.memory_space<vmem>> -> memref<64xi32, #tpu.memory_space<vmem>>
      %dma_wait3A_404 = arith.constant 0 : i32
      %dma_wait3A_405 = arith.constant 0 : i32
      %dma_wait3A_406 = tpu.memref_slice %arg3[%dma_wait3A_404, %dma_wait3A_405] : memref<100000x128xf32, #tpu.memory_space<hbm>> -> memref<100000x128xf32, #tpu.memory_space<hbm>>
      tpu.wait_indirect_dma semaphore(%arg25 : memref<!tpu.dma_semaphore, #tpu.memory_space<semaphore_mem>>) src(%dma_wait3A_406 : memref<100000x128xf32, #tpu.memory_space<hbm>>) dst(%dma_wait3A_401 : memref<64x128xf32, #tpu.memory_space<vmem>>)
      %add3A_407 = arith.constant 4 : i32
      %add3A_408 = arith.addi %mul3A_278, %add3A_407 : i32
      %mul3A_409 = arith.constant 32 : i32
      %mul3A_410 = arith.muli %add3A_408, %mul3A_409 : i32
      %add3A_411 = arith.addi %mul3A_410, %add3A : i32
      %mul3A_412 = arith.constant 64 : i32
      %mul3A_413 = arith.muli %add3A_411, %mul3A_412 : i32
      %dma_start3A_414 = arith.constant 0 : i32
      %dma_start3A_415 = tpu.memref_slice %arg4[%mul3A_413, %dma_start3A_414] : memref<819200x128xf32, #tpu.memory_space<hbm>> -> memref<64x128xf32, #tpu.memory_space<hbm>>
      %dma_start3A_416 = arith.constant 0 : i32
      %dma_start3A_417 = tpu.memref_slice %arg4[%mul3A_413, %dma_start3A_416] : memref<819200x128xf32, #tpu.memory_space<hbm>> -> memref<64x128xf32, #tpu.memory_space<hbm>>
      tpu.enqueue_dma source(%arg17 : memref<64x128xf32, #tpu.memory_space<vmem>>) target(%dma_start3A_417 : memref<64x128xf32, #tpu.memory_space<hbm>>) target_semaphore(%arg33 : memref<!tpu.dma_semaphore, #tpu.memory_space<semaphore_mem>>)
      %add3A_418 = arith.constant 4 : i32
      %add3A_419 = arith.addi %mul3A_278, %add3A_418 : i32
      %add3A_420 = arith.constant 8 : i32
      %add3A_421 = arith.addi %add3A_419, %add3A_420 : i32
      %mul3A_422 = arith.constant 32 : i32
      %mul3A_423 = arith.muli %add3A_421, %mul3A_422 : i32
      %add3A_424 = arith.addi %mul3A_423, %add3A : i32
      %mul3A_425 = arith.constant 64 : i32
      %mul3A_426 = arith.muli %add3A_424, %mul3A_425 : i32
      %dma_start3A_427 = tpu.memref_slice %arg2[%mul3A_426] : memref<819200xi32, #tpu.memory_space<hbm>> -> memref<64xi32, #tpu.memory_space<hbm>>
      %dma_start3A_428 = tpu.memref_slice %arg2[%mul3A_426] : memref<819200xi32, #tpu.memory_space<hbm>> -> memref<64xi32, #tpu.memory_space<hbm>>
      tpu.enqueue_dma source(%dma_start3A_428 : memref<64xi32, #tpu.memory_space<hbm>>) target(%arg9 : memref<64xi32, #tpu.memory_space<vmem>>) target_semaphore(%arg41 : memref<!tpu.dma_semaphore, #tpu.memory_space<semaphore_mem>>)
      %dma_wait3A_429 = arith.constant 0 : i32
      %dma_wait3A_430 = arith.constant 0 : i32
      %dma_wait3A_431 = tpu.memref_slice %arg18[%dma_wait3A_429, %dma_wait3A_430] : memref<64x128xf32, #tpu.memory_space<vmem>> -> memref<64x128xf32, #tpu.memory_space<vmem>>
      %dma_wait3A_432 = arith.constant 0 : i32
      %dma_wait3A_433 = tpu.memref_slice %arg10[%dma_wait3A_432] : memref<64xi32, #tpu.memory_space<vmem>> -> memref<64xi32, #tpu.memory_space<vmem>>
      %dma_wait3A_434 = arith.constant 0 : i32
      %dma_wait3A_435 = arith.constant 0 : i32
      %dma_wait3A_436 = tpu.memref_slice %arg3[%dma_wait3A_434, %dma_wait3A_435] : memref<100000x128xf32, #tpu.memory_space<hbm>> -> memref<100000x128xf32, #tpu.memory_space<hbm>>
      tpu.wait_indirect_dma semaphore(%arg26 : memref<!tpu.dma_semaphore, #tpu.memory_space<semaphore_mem>>) src(%dma_wait3A_436 : memref<100000x128xf32, #tpu.memory_space<hbm>>) dst(%dma_wait3A_431 : memref<64x128xf32, #tpu.memory_space<vmem>>)
      %add3A_437 = arith.constant 5 : i32
      %add3A_438 = arith.addi %mul3A_278, %add3A_437 : i32
      %mul3A_439 = arith.constant 32 : i32
      %mul3A_440 = arith.muli %add3A_438, %mul3A_439 : i32
      %add3A_441 = arith.addi %mul3A_440, %add3A : i32
      %mul3A_442 = arith.constant 64 : i32
      %mul3A_443 = arith.muli %add3A_441, %mul3A_442 : i32
      %dma_start3A_444 = arith.constant 0 : i32
      %dma_start3A_445 = tpu.memref_slice %arg4[%mul3A_443, %dma_start3A_444] : memref<819200x128xf32, #tpu.memory_space<hbm>> -> memref<64x128xf32, #tpu.memory_space<hbm>>
      %dma_start3A_446 = arith.constant 0 : i32
      %dma_start3A_447 = tpu.memref_slice %arg4[%mul3A_443, %dma_start3A_446] : memref<819200x128xf32, #tpu.memory_space<hbm>> -> memref<64x128xf32, #tpu.memory_space<hbm>>
      tpu.enqueue_dma source(%arg18 : memref<64x128xf32, #tpu.memory_space<vmem>>) target(%dma_start3A_447 : memref<64x128xf32, #tpu.memory_space<hbm>>) target_semaphore(%arg34 : memref<!tpu.dma_semaphore, #tpu.memory_space<semaphore_mem>>)
      %add3A_448 = arith.constant 5 : i32
      %add3A_449 = arith.addi %mul3A_278, %add3A_448 : i32
      %add3A_450 = arith.constant 8 : i32
      %add3A_451 = arith.addi %add3A_449, %add3A_450 : i32
      %mul3A_452 = arith.constant 32 : i32
      %mul3A_453 = arith.muli %add3A_451, %mul3A_452 : i32
      %add3A_454 = arith.addi %mul3A_453, %add3A : i32
      %mul3A_455 = arith.constant 64 : i32
      %mul3A_456 = arith.muli %add3A_454, %mul3A_455 : i32
      %dma_start3A_457 = tpu.memref_slice %arg2[%mul3A_456] : memref<819200xi32, #tpu.memory_space<hbm>> -> memref<64xi32, #tpu.memory_space<hbm>>
      %dma_start3A_458 = tpu.memref_slice %arg2[%mul3A_456] : memref<819200xi32, #tpu.memory_space<hbm>> -> memref<64xi32, #tpu.memory_space<hbm>>
      tpu.enqueue_dma source(%dma_start3A_458 : memref<64xi32, #tpu.memory_space<hbm>>) target(%arg10 : memref<64xi32, #tpu.memory_space<vmem>>) target_semaphore(%arg42 : memref<!tpu.dma_semaphore, #tpu.memory_space<semaphore_mem>>)
      %dma_wait3A_459 = arith.constant 0 : i32
      %dma_wait3A_460 = arith.constant 0 : i32
      %dma_wait3A_461 = tpu.memref_slice %arg19[%dma_wait3A_459, %dma_wait3A_460] : memref<64x128xf32, #tpu.memory_space<vmem>> -> memref<64x128xf32, #tpu.memory_space<vmem>>
      %dma_wait3A_462 = arith.constant 0 : i32
      %dma_wait3A_463 = tpu.memref_slice %arg11[%dma_wait3A_462] : memref<64xi32, #tpu.memory_space<vmem>> -> memref<64xi32, #tpu.memory_space<vmem>>
      %dma_wait3A_464 = arith.constant 0 : i32
      %dma_wait3A_465 = arith.constant 0 : i32
      %dma_wait3A_466 = tpu.memref_slice %arg3[%dma_wait3A_464, %dma_wait3A_465] : memref<100000x128xf32, #tpu.memory_space<hbm>> -> memref<100000x128xf32, #tpu.memory_space<hbm>>
      tpu.wait_indirect_dma semaphore(%arg27 : memref<!tpu.dma_semaphore, #tpu.memory_space<semaphore_mem>>) src(%dma_wait3A_466 : memref<100000x128xf32, #tpu.memory_space<hbm>>) dst(%dma_wait3A_461 : memref<64x128xf32, #tpu.memory_space<vmem>>)
      %add3A_467 = arith.constant 6 : i32
      %add3A_468 = arith.addi %mul3A_278, %add3A_467 : i32
      %mul3A_469 = arith.constant 32 : i32
      %mul3A_470 = arith.muli %add3A_468, %mul3A_469 : i32
      %add3A_471 = arith.addi %mul3A_470, %add3A : i32
      %mul3A_472 = arith.constant 64 : i32
      %mul3A_473 = arith.muli %add3A_471, %mul3A_472 : i32
      %dma_start3A_474 = arith.constant 0 : i32
      %dma_start3A_475 = tpu.memref_slice %arg4[%mul3A_473, %dma_start3A_474] : memref<819200x128xf32, #tpu.memory_space<hbm>> -> memref<64x128xf32, #tpu.memory_space<hbm>>
      %dma_start3A_476 = arith.constant 0 : i32
      %dma_start3A_477 = tpu.memref_slice %arg4[%mul3A_473, %dma_start3A_476] : memref<819200x128xf32, #tpu.memory_space<hbm>> -> memref<64x128xf32, #tpu.memory_space<hbm>>
      tpu.enqueue_dma source(%arg19 : memref<64x128xf32, #tpu.memory_space<vmem>>) target(%dma_start3A_477 : memref<64x128xf32, #tpu.memory_space<hbm>>) target_semaphore(%arg35 : memref<!tpu.dma_semaphore, #tpu.memory_space<semaphore_mem>>)
      %add3A_478 = arith.constant 6 : i32
      %add3A_479 = arith.addi %mul3A_278, %add3A_478 : i32
      %add3A_480 = arith.constant 8 : i32
      %add3A_481 = arith.addi %add3A_479, %add3A_480 : i32
      %mul3A_482 = arith.constant 32 : i32
      %mul3A_483 = arith.muli %add3A_481, %mul3A_482 : i32
      %add3A_484 = arith.addi %mul3A_483, %add3A : i32
      %mul3A_485 = arith.constant 64 : i32
      %mul3A_486 = arith.muli %add3A_484, %mul3A_485 : i32
      %dma_start3A_487 = tpu.memref_slice %arg2[%mul3A_486] : memref<819200xi32, #tpu.memory_space<hbm>> -> memref<64xi32, #tpu.memory_space<hbm>>
      %dma_start3A_488 = tpu.memref_slice %arg2[%mul3A_486] : memref<819200xi32, #tpu.memory_space<hbm>> -> memref<64xi32, #tpu.memory_space<hbm>>
      tpu.enqueue_dma source(%dma_start3A_488 : memref<64xi32, #tpu.memory_space<hbm>>) target(%arg11 : memref<64xi32, #tpu.memory_space<vmem>>) target_semaphore(%arg43 : memref<!tpu.dma_semaphore, #tpu.memory_space<semaphore_mem>>)
      %dma_wait3A_489 = arith.constant 0 : i32
      %dma_wait3A_490 = arith.constant 0 : i32
      %dma_wait3A_491 = tpu.memref_slice %arg20[%dma_wait3A_489, %dma_wait3A_490] : memref<64x128xf32, #tpu.memory_space<vmem>> -> memref<64x128xf32, #tpu.memory_space<vmem>>
      %dma_wait3A_492 = arith.constant 0 : i32
      %dma_wait3A_493 = tpu.memref_slice %arg12[%dma_wait3A_492] : memref<64xi32, #tpu.memory_space<vmem>> -> memref<64xi32, #tpu.memory_space<vmem>>
      %dma_wait3A_494 = arith.constant 0 : i32
      %dma_wait3A_495 = arith.constant 0 : i32
      %dma_wait3A_496 = tpu.memref_slice %arg3[%dma_wait3A_494, %dma_wait3A_495] : memref<100000x128xf32, #tpu.memory_space<hbm>> -> memref<100000x128xf32, #tpu.memory_space<hbm>>
      tpu.wait_indirect_dma semaphore(%arg28 : memref<!tpu.dma_semaphore, #tpu.memory_space<semaphore_mem>>) src(%dma_wait3A_496 : memref<100000x128xf32, #tpu.memory_space<hbm>>) dst(%dma_wait3A_491 : memref<64x128xf32, #tpu.memory_space<vmem>>)
      %add3A_497 = arith.constant 7 : i32
      %add3A_498 = arith.addi %mul3A_278, %add3A_497 : i32
      %mul3A_499 = arith.constant 32 : i32
      %mul3A_500 = arith.muli %add3A_498, %mul3A_499 : i32
      %add3A_501 = arith.addi %mul3A_500, %add3A : i32
      %mul3A_502 = arith.constant 64 : i32
      %mul3A_503 = arith.muli %add3A_501, %mul3A_502 : i32
      %dma_start3A_504 = arith.constant 0 : i32
      %dma_start3A_505 = tpu.memref_slice %arg4[%mul3A_503, %dma_start3A_504] : memref<819200x128xf32, #tpu.memory_space<hbm>> -> memref<64x128xf32, #tpu.memory_space<hbm>>
      %dma_start3A_506 = arith.constant 0 : i32
      %dma_start3A_507 = tpu.memref_slice %arg4[%mul3A_503, %dma_start3A_506] : memref<819200x128xf32, #tpu.memory_space<hbm>> -> memref<64x128xf32, #tpu.memory_space<hbm>>
      tpu.enqueue_dma source(%arg20 : memref<64x128xf32, #tpu.memory_space<vmem>>) target(%dma_start3A_507 : memref<64x128xf32, #tpu.memory_space<hbm>>) target_semaphore(%arg36 : memref<!tpu.dma_semaphore, #tpu.memory_space<semaphore_mem>>)
      %add3A_508 = arith.constant 7 : i32
      %add3A_509 = arith.addi %mul3A_278, %add3A_508 : i32
      %add3A_510 = arith.constant 8 : i32
      %add3A_511 = arith.addi %add3A_509, %add3A_510 : i32
      %mul3A_512 = arith.constant 32 : i32
      %mul3A_513 = arith.muli %add3A_511, %mul3A_512 : i32
      %add3A_514 = arith.addi %mul3A_513, %add3A : i32
      %mul3A_515 = arith.constant 64 : i32
      %mul3A_516 = arith.muli %add3A_514, %mul3A_515 : i32
      %dma_start3A_517 = tpu.memref_slice %arg2[%mul3A_516] : memref<819200xi32, #tpu.memory_space<hbm>> -> memref<64xi32, #tpu.memory_space<hbm>>
      %dma_start3A_518 = tpu.memref_slice %arg2[%mul3A_516] : memref<819200xi32, #tpu.memory_space<hbm>> -> memref<64xi32, #tpu.memory_space<hbm>>
      tpu.enqueue_dma source(%dma_start3A_518 : memref<64xi32, #tpu.memory_space<hbm>>) target(%arg12 : memref<64xi32, #tpu.memory_space<vmem>>) target_semaphore(%arg44 : memref<!tpu.dma_semaphore, #tpu.memory_space<semaphore_mem>>)
      %dma_wait3A_519 = arith.constant 0 : i32
      %dma_wait3A_520 = tpu.memref_slice %arg2[%dma_wait3A_519] : memref<819200xi32, #tpu.memory_space<hbm>> -> memref<64xi32, #tpu.memory_space<hbm>>
      %dma_wait3A_521 = arith.constant 0 : i32
      %dma_wait3A_522 = tpu.memref_slice %arg2[%dma_wait3A_521] : memref<819200xi32, #tpu.memory_space<hbm>> -> memref<64xi32, #tpu.memory_space<hbm>>
      tpu.wait_dma2 semaphore(%arg37 : memref<!tpu.dma_semaphore, #tpu.memory_space<semaphore_mem>>) src(%dma_wait3A_522 : memref<64xi32, #tpu.memory_space<hbm>>) dst(%arg5 : memref<64xi32, #tpu.memory_space<vmem>>)
      %dma_wait3A_523 = arith.constant 0 : i32
      %dma_wait3A_524 = arith.constant 0 : i32
      %dma_wait3A_525 = tpu.memref_slice %arg4[%dma_wait3A_523, %dma_wait3A_524] : memref<819200x128xf32, #tpu.memory_space<hbm>> -> memref<64x128xf32, #tpu.memory_space<hbm>>
      %dma_wait3A_526 = arith.constant 0 : i32
      %dma_wait3A_527 = arith.constant 0 : i32
      %dma_wait3A_528 = tpu.memref_slice %arg4[%dma_wait3A_526, %dma_wait3A_527] : memref<819200x128xf32, #tpu.memory_space<hbm>> -> memref<64x128xf32, #tpu.memory_space<hbm>>
      tpu.wait_dma2 semaphore(%arg29 : memref<!tpu.dma_semaphore, #tpu.memory_space<semaphore_mem>>) src(%arg13 : memref<64x128xf32, #tpu.memory_space<vmem>>) dst(%dma_wait3A_528 : memref<64x128xf32, #tpu.memory_space<hbm>>)
      %add3A_529 = arith.constant 0 : i32
      %add3A_530 = arith.addi %mul3A_278, %add3A_529 : i32
      %add3A_531 = arith.constant 8 : i32
      %add3A_532 = arith.addi %add3A_530, %add3A_531 : i32
      %dma_start3A_533 = arith.constant 0 : i32
      %dma_start3A_534 = arith.constant 0 : i32
      %dma_start3A_535 = tpu.memref_slice %arg13[%dma_start3A_533, %dma_start3A_534] : memref<64x128xf32, #tpu.memory_space<vmem>> -> memref<64x128xf32, #tpu.memory_space<vmem>>
      %dma_start3A_536 = arith.constant 0 : i32
      %dma_start3A_537 = tpu.memref_slice %arg5[%dma_start3A_536] : memref<64xi32, #tpu.memory_space<vmem>> -> memref<64xi32, #tpu.memory_space<vmem>>
      %dma_start3A_538 = arith.constant 0 : i32
      %dma_start3A_539 = arith.constant 0 : i32
      %dma_start3A_540 = tpu.memref_slice %arg3[%dma_start3A_538, %dma_start3A_539] : memref<100000x128xf32, #tpu.memory_space<hbm>> -> memref<100000x128xf32, #tpu.memory_space<hbm>>
      tpu.enqueue_indirect_dma source(%dma_start3A_540 : memref<100000x128xf32, #tpu.memory_space<hbm>>) target(%dma_start3A_535 : memref<64x128xf32, #tpu.memory_space<vmem>>) offsets(%dma_start3A_537 : memref<64xi32, #tpu.memory_space<vmem>>) semaphore(%arg21 : memref<!tpu.dma_semaphore, #tpu.memory_space<semaphore_mem>>)
      %dma_wait3A_541 = arith.constant 0 : i32
      %dma_wait3A_542 = tpu.memref_slice %arg2[%dma_wait3A_541] : memref<819200xi32, #tpu.memory_space<hbm>> -> memref<64xi32, #tpu.memory_space<hbm>>
      %dma_wait3A_543 = arith.constant 0 : i32
      %dma_wait3A_544 = tpu.memref_slice %arg2[%dma_wait3A_543] : memref<819200xi32, #tpu.memory_space<hbm>> -> memref<64xi32, #tpu.memory_space<hbm>>
      tpu.wait_dma2 semaphore(%arg38 : memref<!tpu.dma_semaphore, #tpu.memory_space<semaphore_mem>>) src(%dma_wait3A_544 : memref<64xi32, #tpu.memory_space<hbm>>) dst(%arg6 : memref<64xi32, #tpu.memory_space<vmem>>)
      %dma_wait3A_545 = arith.constant 0 : i32
      %dma_wait3A_546 = arith.constant 0 : i32
      %dma_wait3A_547 = tpu.memref_slice %arg4[%dma_wait3A_545, %dma_wait3A_546] : memref<819200x128xf32, #tpu.memory_space<hbm>> -> memref<64x128xf32, #tpu.memory_space<hbm>>
      %dma_wait3A_548 = arith.constant 0 : i32
      %dma_wait3A_549 = arith.constant 0 : i32
      %dma_wait3A_550 = tpu.memref_slice %arg4[%dma_wait3A_548, %dma_wait3A_549] : memref<819200x128xf32, #tpu.memory_space<hbm>> -> memref<64x128xf32, #tpu.memory_space<hbm>>
      tpu.wait_dma2 semaphore(%arg30 : memref<!tpu.dma_semaphore, #tpu.memory_space<semaphore_mem>>) src(%arg14 : memref<64x128xf32, #tpu.memory_space<vmem>>) dst(%dma_wait3A_550 : memref<64x128xf32, #tpu.memory_space<hbm>>)
      %add3A_551 = arith.constant 1 : i32
      %add3A_552 = arith.addi %mul3A_278, %add3A_551 : i32
      %add3A_553 = arith.constant 8 : i32
      %add3A_554 = arith.addi %add3A_552, %add3A_553 : i32
      %dma_start3A_555 = arith.constant 0 : i32
      %dma_start3A_556 = arith.constant 0 : i32
      %dma_start3A_557 = tpu.memref_slice %arg14[%dma_start3A_555, %dma_start3A_556] : memref<64x128xf32, #tpu.memory_space<vmem>> -> memref<64x128xf32, #tpu.memory_space<vmem>>
      %dma_start3A_558 = arith.constant 0 : i32
      %dma_start3A_559 = tpu.memref_slice %arg6[%dma_start3A_558] : memref<64xi32, #tpu.memory_space<vmem>> -> memref<64xi32, #tpu.memory_space<vmem>>
      %dma_start3A_560 = arith.constant 0 : i32
      %dma_start3A_561 = arith.constant 0 : i32
      %dma_start3A_562 = tpu.memref_slice %arg3[%dma_start3A_560, %dma_start3A_561] : memref<100000x128xf32, #tpu.memory_space<hbm>> -> memref<100000x128xf32, #tpu.memory_space<hbm>>
      tpu.enqueue_indirect_dma source(%dma_start3A_562 : memref<100000x128xf32, #tpu.memory_space<hbm>>) target(%dma_start3A_557 : memref<64x128xf32, #tpu.memory_space<vmem>>) offsets(%dma_start3A_559 : memref<64xi32, #tpu.memory_space<vmem>>) semaphore(%arg22 : memref<!tpu.dma_semaphore, #tpu.memory_space<semaphore_mem>>)
      %dma_wait3A_563 = arith.constant 0 : i32
      %dma_wait3A_564 = tpu.memref_slice %arg2[%dma_wait3A_563] : memref<819200xi32, #tpu.memory_space<hbm>> -> memref<64xi32, #tpu.memory_space<hbm>>
      %dma_wait3A_565 = arith.constant 0 : i32
      %dma_wait3A_566 = tpu.memref_slice %arg2[%dma_wait3A_565] : memref<819200xi32, #tpu.memory_space<hbm>> -> memref<64xi32, #tpu.memory_space<hbm>>
      tpu.wait_dma2 semaphore(%arg39 : memref<!tpu.dma_semaphore, #tpu.memory_space<semaphore_mem>>) src(%dma_wait3A_566 : memref<64xi32, #tpu.memory_space<hbm>>) dst(%arg7 : memref<64xi32, #tpu.memory_space<vmem>>)
      %dma_wait3A_567 = arith.constant 0 : i32
      %dma_wait3A_568 = arith.constant 0 : i32
      %dma_wait3A_569 = tpu.memref_slice %arg4[%dma_wait3A_567, %dma_wait3A_568] : memref<819200x128xf32, #tpu.memory_space<hbm>> -> memref<64x128xf32, #tpu.memory_space<hbm>>
      %dma_wait3A_570 = arith.constant 0 : i32
      %dma_wait3A_571 = arith.constant 0 : i32
      %dma_wait3A_572 = tpu.memref_slice %arg4[%dma_wait3A_570, %dma_wait3A_571] : memref<819200x128xf32, #tpu.memory_space<hbm>> -> memref<64x128xf32, #tpu.memory_space<hbm>>
      tpu.wait_dma2 semaphore(%arg31 : memref<!tpu.dma_semaphore, #tpu.memory_space<semaphore_mem>>) src(%arg15 : memref<64x128xf32, #tpu.memory_space<vmem>>) dst(%dma_wait3A_572 : memref<64x128xf32, #tpu.memory_space<hbm>>)
      %add3A_573 = arith.constant 2 : i32
      %add3A_574 = arith.addi %mul3A_278, %add3A_573 : i32
      %add3A_575 = arith.constant 8 : i32
      %add3A_576 = arith.addi %add3A_574, %add3A_575 : i32
      %dma_start3A_577 = arith.constant 0 : i32
      %dma_start3A_578 = arith.constant 0 : i32
      %dma_start3A_579 = tpu.memref_slice %arg15[%dma_start3A_577, %dma_start3A_578] : memref<64x128xf32, #tpu.memory_space<vmem>> -> memref<64x128xf32, #tpu.memory_space<vmem>>
      %dma_start3A_580 = arith.constant 0 : i32
      %dma_start3A_581 = tpu.memref_slice %arg7[%dma_start3A_580] : memref<64xi32, #tpu.memory_space<vmem>> -> memref<64xi32, #tpu.memory_space<vmem>>
      %dma_start3A_582 = arith.constant 0 : i32
      %dma_start3A_583 = arith.constant 0 : i32
      %dma_start3A_584 = tpu.memref_slice %arg3[%dma_start3A_582, %dma_start3A_583] : memref<100000x128xf32, #tpu.memory_space<hbm>> -> memref<100000x128xf32, #tpu.memory_space<hbm>>
      tpu.enqueue_indirect_dma source(%dma_start3A_584 : memref<100000x128xf32, #tpu.memory_space<hbm>>) target(%dma_start3A_579 : memref<64x128xf32, #tpu.memory_space<vmem>>) offsets(%dma_start3A_581 : memref<64xi32, #tpu.memory_space<vmem>>) semaphore(%arg23 : memref<!tpu.dma_semaphore, #tpu.memory_space<semaphore_mem>>)
      %dma_wait3A_585 = arith.constant 0 : i32
      %dma_wait3A_586 = tpu.memref_slice %arg2[%dma_wait3A_585] : memref<819200xi32, #tpu.memory_space<hbm>> -> memref<64xi32, #tpu.memory_space<hbm>>
      %dma_wait3A_587 = arith.constant 0 : i32
      %dma_wait3A_588 = tpu.memref_slice %arg2[%dma_wait3A_587] : memref<819200xi32, #tpu.memory_space<hbm>> -> memref<64xi32, #tpu.memory_space<hbm>>
      tpu.wait_dma2 semaphore(%arg40 : memref<!tpu.dma_semaphore, #tpu.memory_space<semaphore_mem>>) src(%dma_wait3A_588 : memref<64xi32, #tpu.memory_space<hbm>>) dst(%arg8 : memref<64xi32, #tpu.memory_space<vmem>>)
      %dma_wait3A_589 = arith.constant 0 : i32
      %dma_wait3A_590 = arith.constant 0 : i32
      %dma_wait3A_591 = tpu.memref_slice %arg4[%dma_wait3A_589, %dma_wait3A_590] : memref<819200x128xf32, #tpu.memory_space<hbm>> -> memref<64x128xf32, #tpu.memory_space<hbm>>
      %dma_wait3A_592 = arith.constant 0 : i32
      %dma_wait3A_593 = arith.constant 0 : i32
      %dma_wait3A_594 = tpu.memref_slice %arg4[%dma_wait3A_592, %dma_wait3A_593] : memref<819200x128xf32, #tpu.memory_space<hbm>> -> memref<64x128xf32, #tpu.memory_space<hbm>>
      tpu.wait_dma2 semaphore(%arg32 : memref<!tpu.dma_semaphore, #tpu.memory_space<semaphore_mem>>) src(%arg16 : memref<64x128xf32, #tpu.memory_space<vmem>>) dst(%dma_wait3A_594 : memref<64x128xf32, #tpu.memory_space<hbm>>)
      %add3A_595 = arith.constant 3 : i32
      %add3A_596 = arith.addi %mul3A_278, %add3A_595 : i32
      %add3A_597 = arith.constant 8 : i32
      %add3A_598 = arith.addi %add3A_596, %add3A_597 : i32
      %dma_start3A_599 = arith.constant 0 : i32
      %dma_start3A_600 = arith.constant 0 : i32
      %dma_start3A_601 = tpu.memref_slice %arg16[%dma_start3A_599, %dma_start3A_600] : memref<64x128xf32, #tpu.memory_space<vmem>> -> memref<64x128xf32, #tpu.memory_space<vmem>>
      %dma_start3A_602 = arith.constant 0 : i32
      %dma_start3A_603 = tpu.memref_slice %arg8[%dma_start3A_602] : memref<64xi32, #tpu.memory_space<vmem>> -> memref<64xi32, #tpu.memory_space<vmem>>
      %dma_start3A_604 = arith.constant 0 : i32
      %dma_start3A_605 = arith.constant 0 : i32
      %dma_start3A_606 = tpu.memref_slice %arg3[%dma_start3A_604, %dma_start3A_605] : memref<100000x128xf32, #tpu.memory_space<hbm>> -> memref<100000x128xf32, #tpu.memory_space<hbm>>
      tpu.enqueue_indirect_dma source(%dma_start3A_606 : memref<100000x128xf32, #tpu.memory_space<hbm>>) target(%dma_start3A_601 : memref<64x128xf32, #tpu.memory_space<vmem>>) offsets(%dma_start3A_603 : memref<64xi32, #tpu.memory_space<vmem>>) semaphore(%arg24 : memref<!tpu.dma_semaphore, #tpu.memory_space<semaphore_mem>>)
      %dma_wait3A_607 = arith.constant 0 : i32
      %dma_wait3A_608 = tpu.memref_slice %arg2[%dma_wait3A_607] : memref<819200xi32, #tpu.memory_space<hbm>> -> memref<64xi32, #tpu.memory_space<hbm>>
      %dma_wait3A_609 = arith.constant 0 : i32
      %dma_wait3A_610 = tpu.memref_slice %arg2[%dma_wait3A_609] : memref<819200xi32, #tpu.memory_space<hbm>> -> memref<64xi32, #tpu.memory_space<hbm>>
      tpu.wait_dma2 semaphore(%arg41 : memref<!tpu.dma_semaphore, #tpu.memory_space<semaphore_mem>>) src(%dma_wait3A_610 : memref<64xi32, #tpu.memory_space<hbm>>) dst(%arg9 : memref<64xi32, #tpu.memory_space<vmem>>)
      %dma_wait3A_611 = arith.constant 0 : i32
      %dma_wait3A_612 = arith.constant 0 : i32
      %dma_wait3A_613 = tpu.memref_slice %arg4[%dma_wait3A_611, %dma_wait3A_612] : memref<819200x128xf32, #tpu.memory_space<hbm>> -> memref<64x128xf32, #tpu.memory_space<hbm>>
      %dma_wait3A_614 = arith.constant 0 : i32
      %dma_wait3A_615 = arith.constant 0 : i32
      %dma_wait3A_616 = tpu.memref_slice %arg4[%dma_wait3A_614, %dma_wait3A_615] : memref<819200x128xf32, #tpu.memory_space<hbm>> -> memref<64x128xf32, #tpu.memory_space<hbm>>
      tpu.wait_dma2 semaphore(%arg33 : memref<!tpu.dma_semaphore, #tpu.memory_space<semaphore_mem>>) src(%arg17 : memref<64x128xf32, #tpu.memory_space<vmem>>) dst(%dma_wait3A_616 : memref<64x128xf32, #tpu.memory_space<hbm>>)
      %add3A_617 = arith.constant 4 : i32
      %add3A_618 = arith.addi %mul3A_278, %add3A_617 : i32
      %add3A_619 = arith.constant 8 : i32
      %add3A_620 = arith.addi %add3A_618, %add3A_619 : i32
      %dma_start3A_621 = arith.constant 0 : i32
      %dma_start3A_622 = arith.constant 0 : i32
      %dma_start3A_623 = tpu.memref_slice %arg17[%dma_start3A_621, %dma_start3A_622] : memref<64x128xf32, #tpu.memory_space<vmem>> -> memref<64x128xf32, #tpu.memory_space<vmem>>
      %dma_start3A_624 = arith.constant 0 : i32
      %dma_start3A_625 = tpu.memref_slice %arg9[%dma_start3A_624] : memref<64xi32, #tpu.memory_space<vmem>> -> memref<64xi32, #tpu.memory_space<vmem>>
      %dma_start3A_626 = arith.constant 0 : i32
      %dma_start3A_627 = arith.constant 0 : i32
      %dma_start3A_628 = tpu.memref_slice %arg3[%dma_start3A_626, %dma_start3A_627] : memref<100000x128xf32, #tpu.memory_space<hbm>> -> memref<100000x128xf32, #tpu.memory_space<hbm>>
      tpu.enqueue_indirect_dma source(%dma_start3A_628 : memref<100000x128xf32, #tpu.memory_space<hbm>>) target(%dma_start3A_623 : memref<64x128xf32, #tpu.memory_space<vmem>>) offsets(%dma_start3A_625 : memref<64xi32, #tpu.memory_space<vmem>>) semaphore(%arg25 : memref<!tpu.dma_semaphore, #tpu.memory_space<semaphore_mem>>)
      %dma_wait3A_629 = arith.constant 0 : i32
      %dma_wait3A_630 = tpu.memref_slice %arg2[%dma_wait3A_629] : memref<819200xi32, #tpu.memory_space<hbm>> -> memref<64xi32, #tpu.memory_space<hbm>>
      %dma_wait3A_631 = arith.constant 0 : i32
      %dma_wait3A_632 = tpu.memref_slice %arg2[%dma_wait3A_631] : memref<819200xi32, #tpu.memory_space<hbm>> -> memref<64xi32, #tpu.memory_space<hbm>>
      tpu.wait_dma2 semaphore(%arg42 : memref<!tpu.dma_semaphore, #tpu.memory_space<semaphore_mem>>) src(%dma_wait3A_632 : memref<64xi32, #tpu.memory_space<hbm>>) dst(%arg10 : memref<64xi32, #tpu.memory_space<vmem>>)
      %dma_wait3A_633 = arith.constant 0 : i32
      %dma_wait3A_634 = arith.constant 0 : i32
      %dma_wait3A_635 = tpu.memref_slice %arg4[%dma_wait3A_633, %dma_wait3A_634] : memref<819200x128xf32, #tpu.memory_space<hbm>> -> memref<64x128xf32, #tpu.memory_space<hbm>>
      %dma_wait3A_636 = arith.constant 0 : i32
      %dma_wait3A_637 = arith.constant 0 : i32
      %dma_wait3A_638 = tpu.memref_slice %arg4[%dma_wait3A_636, %dma_wait3A_637] : memref<819200x128xf32, #tpu.memory_space<hbm>> -> memref<64x128xf32, #tpu.memory_space<hbm>>
      tpu.wait_dma2 semaphore(%arg34 : memref<!tpu.dma_semaphore, #tpu.memory_space<semaphore_mem>>) src(%arg18 : memref<64x128xf32, #tpu.memory_space<vmem>>) dst(%dma_wait3A_638 : memref<64x128xf32, #tpu.memory_space<hbm>>)
      %add3A_639 = arith.constant 5 : i32
      %add3A_640 = arith.addi %mul3A_278, %add3A_639 : i32
      %add3A_641 = arith.constant 8 : i32
      %add3A_642 = arith.addi %add3A_640, %add3A_641 : i32
      %dma_start3A_643 = arith.constant 0 : i32
      %dma_start3A_644 = arith.constant 0 : i32
      %dma_start3A_645 = tpu.memref_slice %arg18[%dma_start3A_643, %dma_start3A_644] : memref<64x128xf32, #tpu.memory_space<vmem>> -> memref<64x128xf32, #tpu.memory_space<vmem>>
      %dma_start3A_646 = arith.constant 0 : i32
      %dma_start3A_647 = tpu.memref_slice %arg10[%dma_start3A_646] : memref<64xi32, #tpu.memory_space<vmem>> -> memref<64xi32, #tpu.memory_space<vmem>>
      %dma_start3A_648 = arith.constant 0 : i32
      %dma_start3A_649 = arith.constant 0 : i32
      %dma_start3A_650 = tpu.memref_slice %arg3[%dma_start3A_648, %dma_start3A_649] : memref<100000x128xf32, #tpu.memory_space<hbm>> -> memref<100000x128xf32, #tpu.memory_space<hbm>>
      tpu.enqueue_indirect_dma source(%dma_start3A_650 : memref<100000x128xf32, #tpu.memory_space<hbm>>) target(%dma_start3A_645 : memref<64x128xf32, #tpu.memory_space<vmem>>) offsets(%dma_start3A_647 : memref<64xi32, #tpu.memory_space<vmem>>) semaphore(%arg26 : memref<!tpu.dma_semaphore, #tpu.memory_space<semaphore_mem>>)
      %dma_wait3A_651 = arith.constant 0 : i32
      %dma_wait3A_652 = tpu.memref_slice %arg2[%dma_wait3A_651] : memref<819200xi32, #tpu.memory_space<hbm>> -> memref<64xi32, #tpu.memory_space<hbm>>
      %dma_wait3A_653 = arith.constant 0 : i32
      %dma_wait3A_654 = tpu.memref_slice %arg2[%dma_wait3A_653] : memref<819200xi32, #tpu.memory_space<hbm>> -> memref<64xi32, #tpu.memory_space<hbm>>
      tpu.wait_dma2 semaphore(%arg43 : memref<!tpu.dma_semaphore, #tpu.memory_space<semaphore_mem>>) src(%dma_wait3A_654 : memref<64xi32, #tpu.memory_space<hbm>>) dst(%arg11 : memref<64xi32, #tpu.memory_space<vmem>>)
      %dma_wait3A_655 = arith.constant 0 : i32
      %dma_wait3A_656 = arith.constant 0 : i32
      %dma_wait3A_657 = tpu.memref_slice %arg4[%dma_wait3A_655, %dma_wait3A_656] : memref<819200x128xf32, #tpu.memory_space<hbm>> -> memref<64x128xf32, #tpu.memory_space<hbm>>
      %dma_wait3A_658 = arith.constant 0 : i32
      %dma_wait3A_659 = arith.constant 0 : i32
      %dma_wait3A_660 = tpu.memref_slice %arg4[%dma_wait3A_658, %dma_wait3A_659] : memref<819200x128xf32, #tpu.memory_space<hbm>> -> memref<64x128xf32, #tpu.memory_space<hbm>>
      tpu.wait_dma2 semaphore(%arg35 : memref<!tpu.dma_semaphore, #tpu.memory_space<semaphore_mem>>) src(%arg19 : memref<64x128xf32, #tpu.memory_space<vmem>>) dst(%dma_wait3A_660 : memref<64x128xf32, #tpu.memory_space<hbm>>)
      %add3A_661 = arith.constant 6 : i32
      %add3A_662 = arith.addi %mul3A_278, %add3A_661 : i32
      %add3A_663 = arith.constant 8 : i32
      %add3A_664 = arith.addi %add3A_662, %add3A_663 : i32
      %dma_start3A_665 = arith.constant 0 : i32
      %dma_start3A_666 = arith.constant 0 : i32
      %dma_start3A_667 = tpu.memref_slice %arg19[%dma_start3A_665, %dma_start3A_666] : memref<64x128xf32, #tpu.memory_space<vmem>> -> memref<64x128xf32, #tpu.memory_space<vmem>>
      %dma_start3A_668 = arith.constant 0 : i32
      %dma_start3A_669 = tpu.memref_slice %arg11[%dma_start3A_668] : memref<64xi32, #tpu.memory_space<vmem>> -> memref<64xi32, #tpu.memory_space<vmem>>
      %dma_start3A_670 = arith.constant 0 : i32
      %dma_start3A_671 = arith.constant 0 : i32
      %dma_start3A_672 = tpu.memref_slice %arg3[%dma_start3A_670, %dma_start3A_671] : memref<100000x128xf32, #tpu.memory_space<hbm>> -> memref<100000x128xf32, #tpu.memory_space<hbm>>
      tpu.enqueue_indirect_dma source(%dma_start3A_672 : memref<100000x128xf32, #tpu.memory_space<hbm>>) target(%dma_start3A_667 : memref<64x128xf32, #tpu.memory_space<vmem>>) offsets(%dma_start3A_669 : memref<64xi32, #tpu.memory_space<vmem>>) semaphore(%arg27 : memref<!tpu.dma_semaphore, #tpu.memory_space<semaphore_mem>>)
      %dma_wait3A_673 = arith.constant 0 : i32
      %dma_wait3A_674 = tpu.memref_slice %arg2[%dma_wait3A_673] : memref<819200xi32, #tpu.memory_space<hbm>> -> memref<64xi32, #tpu.memory_space<hbm>>
      %dma_wait3A_675 = arith.constant 0 : i32
      %dma_wait3A_676 = tpu.memref_slice %arg2[%dma_wait3A_675] : memref<819200xi32, #tpu.memory_space<hbm>> -> memref<64xi32, #tpu.memory_space<hbm>>
      tpu.wait_dma2 semaphore(%arg44 : memref<!tpu.dma_semaphore, #tpu.memory_space<semaphore_mem>>) src(%dma_wait3A_676 : memref<64xi32, #tpu.memory_space<hbm>>) dst(%arg12 : memref<64xi32, #tpu.memory_space<vmem>>)
      %dma_wait3A_677 = arith.constant 0 : i32
      %dma_wait3A_678 = arith.constant 0 : i32
      %dma_wait3A_679 = tpu.memref_slice %arg4[%dma_wait3A_677, %dma_wait3A_678] : memref<819200x128xf32, #tpu.memory_space<hbm>> -> memref<64x128xf32, #tpu.memory_space<hbm>>
      %dma_wait3A_680 = arith.constant 0 : i32
      %dma_wait3A_681 = arith.constant 0 : i32
      %dma_wait3A_682 = tpu.memref_slice %arg4[%dma_wait3A_680, %dma_wait3A_681] : memref<819200x128xf32, #tpu.memory_space<hbm>> -> memref<64x128xf32, #tpu.memory_space<hbm>>
      tpu.wait_dma2 semaphore(%arg36 : memref<!tpu.dma_semaphore, #tpu.memory_space<semaphore_mem>>) src(%arg20 : memref<64x128xf32, #tpu.memory_space<vmem>>) dst(%dma_wait3A_682 : memref<64x128xf32, #tpu.memory_space<hbm>>)
      %add3A_683 = arith.constant 7 : i32
      %add3A_684 = arith.addi %mul3A_278, %add3A_683 : i32
      %add3A_685 = arith.constant 8 : i32
      %add3A_686 = arith.addi %add3A_684, %add3A_685 : i32
      %dma_start3A_687 = arith.constant 0 : i32
      %dma_start3A_688 = arith.constant 0 : i32
      %dma_start3A_689 = tpu.memref_slice %arg20[%dma_start3A_687, %dma_start3A_688] : memref<64x128xf32, #tpu.memory_space<vmem>> -> memref<64x128xf32, #tpu.memory_space<vmem>>
      %dma_start3A_690 = arith.constant 0 : i32
      %dma_start3A_691 = tpu.memref_slice %arg12[%dma_start3A_690] : memref<64xi32, #tpu.memory_space<vmem>> -> memref<64xi32, #tpu.memory_space<vmem>>
      %dma_start3A_692 = arith.constant 0 : i32
      %dma_start3A_693 = arith.constant 0 : i32
      %dma_start3A_694 = tpu.memref_slice %arg3[%dma_start3A_692, %dma_start3A_693] : memref<100000x128xf32, #tpu.memory_space<hbm>> -> memref<100000x128xf32, #tpu.memory_space<hbm>>
      tpu.enqueue_indirect_dma source(%dma_start3A_694 : memref<100000x128xf32, #tpu.memory_space<hbm>>) target(%dma_start3A_689 : memref<64x128xf32, #tpu.memory_space<vmem>>) offsets(%dma_start3A_691 : memref<64xi32, #tpu.memory_space<vmem>>) semaphore(%arg28 : memref<!tpu.dma_semaphore, #tpu.memory_space<semaphore_mem>>)
    }
    %scan3A_100 = arith.constant 49 : i32
    %dma_wait3A = arith.constant 0 : i32
    %dma_wait3A_101 = arith.constant 0 : i32
    %dma_wait3A_102 = tpu.memref_slice %arg13[%dma_wait3A, %dma_wait3A_101] : memref<64x128xf32, #tpu.memory_space<vmem>> -> memref<64x128xf32, #tpu.memory_space<vmem>>
    %dma_wait3A_103 = arith.constant 0 : i32
    %dma_wait3A_104 = tpu.memref_slice %arg5[%dma_wait3A_103] : memref<64xi32, #tpu.memory_space<vmem>> -> memref<64xi32, #tpu.memory_space<vmem>>
    %dma_wait3A_105 = arith.constant 0 : i32
    %dma_wait3A_106 = arith.constant 0 : i32
    %dma_wait3A_107 = tpu.memref_slice %arg3[%dma_wait3A_105, %dma_wait3A_106] : memref<100000x128xf32, #tpu.memory_space<hbm>> -> memref<100000x128xf32, #tpu.memory_space<hbm>>
    tpu.wait_indirect_dma semaphore(%arg21 : memref<!tpu.dma_semaphore, #tpu.memory_space<semaphore_mem>>) src(%dma_wait3A_107 : memref<100000x128xf32, #tpu.memory_space<hbm>>) dst(%dma_wait3A_102 : memref<64x128xf32, #tpu.memory_space<vmem>>)
    %add3A_108 = arith.constant 12544 : i32
    %add3A_109 = arith.addi %add3A_108, %add3A : i32
    %mul3A_110 = arith.constant 64 : i32
    %mul3A_111 = arith.muli %add3A_109, %mul3A_110 : i32
    %dma_start3A_112 = arith.constant 0 : i32
    %dma_start3A_113 = tpu.memref_slice %arg4[%mul3A_111, %dma_start3A_112] : memref<819200x128xf32, #tpu.memory_space<hbm>> -> memref<64x128xf32, #tpu.memory_space<hbm>>
    %dma_start3A_114 = arith.constant 0 : i32
    %dma_start3A_115 = tpu.memref_slice %arg4[%mul3A_111, %dma_start3A_114] : memref<819200x128xf32, #tpu.memory_space<hbm>> -> memref<64x128xf32, #tpu.memory_space<hbm>>
    tpu.enqueue_dma source(%arg13 : memref<64x128xf32, #tpu.memory_space<vmem>>) target(%dma_start3A_115 : memref<64x128xf32, #tpu.memory_space<hbm>>) target_semaphore(%arg29 : memref<!tpu.dma_semaphore, #tpu.memory_space<semaphore_mem>>)
    %dma_wait3A_116 = arith.constant 0 : i32
    %dma_wait3A_117 = arith.constant 0 : i32
    %dma_wait3A_118 = tpu.memref_slice %arg14[%dma_wait3A_116, %dma_wait3A_117] : memref<64x128xf32, #tpu.memory_space<vmem>> -> memref<64x128xf32, #tpu.memory_space<vmem>>
    %dma_wait3A_119 = arith.constant 0 : i32
    %dma_wait3A_120 = tpu.memref_slice %arg6[%dma_wait3A_119] : memref<64xi32, #tpu.memory_space<vmem>> -> memref<64xi32, #tpu.memory_space<vmem>>
    %dma_wait3A_121 = arith.constant 0 : i32
    %dma_wait3A_122 = arith.constant 0 : i32
    %dma_wait3A_123 = tpu.memref_slice %arg3[%dma_wait3A_121, %dma_wait3A_122] : memref<100000x128xf32, #tpu.memory_space<hbm>> -> memref<100000x128xf32, #tpu.memory_space<hbm>>
    tpu.wait_indirect_dma semaphore(%arg22 : memref<!tpu.dma_semaphore, #tpu.memory_space<semaphore_mem>>) src(%dma_wait3A_123 : memref<100000x128xf32, #tpu.memory_space<hbm>>) dst(%dma_wait3A_118 : memref<64x128xf32, #tpu.memory_space<vmem>>)
    %add3A_124 = arith.constant 12576 : i32
    %add3A_125 = arith.addi %add3A_124, %add3A : i32
    %mul3A_126 = arith.constant 64 : i32
    %mul3A_127 = arith.muli %add3A_125, %mul3A_126 : i32
    %dma_start3A_128 = arith.constant 0 : i32
    %dma_start3A_129 = tpu.memref_slice %arg4[%mul3A_127, %dma_start3A_128] : memref<819200x128xf32, #tpu.memory_space<hbm>> -> memref<64x128xf32, #tpu.memory_space<hbm>>
    %dma_start3A_130 = arith.constant 0 : i32
    %dma_start3A_131 = tpu.memref_slice %arg4[%mul3A_127, %dma_start3A_130] : memref<819200x128xf32, #tpu.memory_space<hbm>> -> memref<64x128xf32, #tpu.memory_space<hbm>>
    tpu.enqueue_dma source(%arg14 : memref<64x128xf32, #tpu.memory_space<vmem>>) target(%dma_start3A_131 : memref<64x128xf32, #tpu.memory_space<hbm>>) target_semaphore(%arg30 : memref<!tpu.dma_semaphore, #tpu.memory_space<semaphore_mem>>)
    %dma_wait3A_132 = arith.constant 0 : i32
    %dma_wait3A_133 = arith.constant 0 : i32
    %dma_wait3A_134 = tpu.memref_slice %arg15[%dma_wait3A_132, %dma_wait3A_133] : memref<64x128xf32, #tpu.memory_space<vmem>> -> memref<64x128xf32, #tpu.memory_space<vmem>>
    %dma_wait3A_135 = arith.constant 0 : i32
    %dma_wait3A_136 = tpu.memref_slice %arg7[%dma_wait3A_135] : memref<64xi32, #tpu.memory_space<vmem>> -> memref<64xi32, #tpu.memory_space<vmem>>
    %dma_wait3A_137 = arith.constant 0 : i32
    %dma_wait3A_138 = arith.constant 0 : i32
    %dma_wait3A_139 = tpu.memref_slice %arg3[%dma_wait3A_137, %dma_wait3A_138] : memref<100000x128xf32, #tpu.memory_space<hbm>> -> memref<100000x128xf32, #tpu.memory_space<hbm>>
    tpu.wait_indirect_dma semaphore(%arg23 : memref<!tpu.dma_semaphore, #tpu.memory_space<semaphore_mem>>) src(%dma_wait3A_139 : memref<100000x128xf32, #tpu.memory_space<hbm>>) dst(%dma_wait3A_134 : memref<64x128xf32, #tpu.memory_space<vmem>>)
    %add3A_140 = arith.constant 12608 : i32
    %add3A_141 = arith.addi %add3A_140, %add3A : i32
    %mul3A_142 = arith.constant 64 : i32
    %mul3A_143 = arith.muli %add3A_141, %mul3A_142 : i32
    %dma_start3A_144 = arith.constant 0 : i32
    %dma_start3A_145 = tpu.memref_slice %arg4[%mul3A_143, %dma_start3A_144] : memref<819200x128xf32, #tpu.memory_space<hbm>> -> memref<64x128xf32, #tpu.memory_space<hbm>>
    %dma_start3A_146 = arith.constant 0 : i32
    %dma_start3A_147 = tpu.memref_slice %arg4[%mul3A_143, %dma_start3A_146] : memref<819200x128xf32, #tpu.memory_space<hbm>> -> memref<64x128xf32, #tpu.memory_space<hbm>>
    tpu.enqueue_dma source(%arg15 : memref<64x128xf32, #tpu.memory_space<vmem>>) target(%dma_start3A_147 : memref<64x128xf32, #tpu.memory_space<hbm>>) target_semaphore(%arg31 : memref<!tpu.dma_semaphore, #tpu.memory_space<semaphore_mem>>)
    %dma_wait3A_148 = arith.constant 0 : i32
    %dma_wait3A_149 = arith.constant 0 : i32
    %dma_wait3A_150 = tpu.memref_slice %arg16[%dma_wait3A_148, %dma_wait3A_149] : memref<64x128xf32, #tpu.memory_space<vmem>> -> memref<64x128xf32, #tpu.memory_space<vmem>>
    %dma_wait3A_151 = arith.constant 0 : i32
    %dma_wait3A_152 = tpu.memref_slice %arg8[%dma_wait3A_151] : memref<64xi32, #tpu.memory_space<vmem>> -> memref<64xi32, #tpu.memory_space<vmem>>
    %dma_wait3A_153 = arith.constant 0 : i32
    %dma_wait3A_154 = arith.constant 0 : i32
    %dma_wait3A_155 = tpu.memref_slice %arg3[%dma_wait3A_153, %dma_wait3A_154] : memref<100000x128xf32, #tpu.memory_space<hbm>> -> memref<100000x128xf32, #tpu.memory_space<hbm>>
    tpu.wait_indirect_dma semaphore(%arg24 : memref<!tpu.dma_semaphore, #tpu.memory_space<semaphore_mem>>) src(%dma_wait3A_155 : memref<100000x128xf32, #tpu.memory_space<hbm>>) dst(%dma_wait3A_150 : memref<64x128xf32, #tpu.memory_space<vmem>>)
    %add3A_156 = arith.constant 12640 : i32
    %add3A_157 = arith.addi %add3A_156, %add3A : i32
    %mul3A_158 = arith.constant 64 : i32
    %mul3A_159 = arith.muli %add3A_157, %mul3A_158 : i32
    %dma_start3A_160 = arith.constant 0 : i32
    %dma_start3A_161 = tpu.memref_slice %arg4[%mul3A_159, %dma_start3A_160] : memref<819200x128xf32, #tpu.memory_space<hbm>> -> memref<64x128xf32, #tpu.memory_space<hbm>>
    %dma_start3A_162 = arith.constant 0 : i32
    %dma_start3A_163 = tpu.memref_slice %arg4[%mul3A_159, %dma_start3A_162] : memref<819200x128xf32, #tpu.memory_space<hbm>> -> memref<64x128xf32, #tpu.memory_space<hbm>>
    tpu.enqueue_dma source(%arg16 : memref<64x128xf32, #tpu.memory_space<vmem>>) target(%dma_start3A_163 : memref<64x128xf32, #tpu.memory_space<hbm>>) target_semaphore(%arg32 : memref<!tpu.dma_semaphore, #tpu.memory_space<semaphore_mem>>)
    %dma_wait3A_164 = arith.constant 0 : i32
    %dma_wait3A_165 = arith.constant 0 : i32
    %dma_wait3A_166 = tpu.memref_slice %arg17[%dma_wait3A_164, %dma_wait3A_165] : memref<64x128xf32, #tpu.memory_space<vmem>> -> memref<64x128xf32, #tpu.memory_space<vmem>>
    %dma_wait3A_167 = arith.constant 0 : i32
    %dma_wait3A_168 = tpu.memref_slice %arg9[%dma_wait3A_167] : memref<64xi32, #tpu.memory_space<vmem>> -> memref<64xi32, #tpu.memory_space<vmem>>
    %dma_wait3A_169 = arith.constant 0 : i32
    %dma_wait3A_170 = arith.constant 0 : i32
    %dma_wait3A_171 = tpu.memref_slice %arg3[%dma_wait3A_169, %dma_wait3A_170] : memref<100000x128xf32, #tpu.memory_space<hbm>> -> memref<100000x128xf32, #tpu.memory_space<hbm>>
    tpu.wait_indirect_dma semaphore(%arg25 : memref<!tpu.dma_semaphore, #tpu.memory_space<semaphore_mem>>) src(%dma_wait3A_171 : memref<100000x128xf32, #tpu.memory_space<hbm>>) dst(%dma_wait3A_166 : memref<64x128xf32, #tpu.memory_space<vmem>>)
    %add3A_172 = arith.constant 12672 : i32
    %add3A_173 = arith.addi %add3A_172, %add3A : i32
    %mul3A_174 = arith.constant 64 : i32
    %mul3A_175 = arith.muli %add3A_173, %mul3A_174 : i32
    %dma_start3A_176 = arith.constant 0 : i32
    %dma_start3A_177 = tpu.memref_slice %arg4[%mul3A_175, %dma_start3A_176] : memref<819200x128xf32, #tpu.memory_space<hbm>> -> memref<64x128xf32, #tpu.memory_space<hbm>>
    %dma_start3A_178 = arith.constant 0 : i32
    %dma_start3A_179 = tpu.memref_slice %arg4[%mul3A_175, %dma_start3A_178] : memref<819200x128xf32, #tpu.memory_space<hbm>> -> memref<64x128xf32, #tpu.memory_space<hbm>>
    tpu.enqueue_dma source(%arg17 : memref<64x128xf32, #tpu.memory_space<vmem>>) target(%dma_start3A_179 : memref<64x128xf32, #tpu.memory_space<hbm>>) target_semaphore(%arg33 : memref<!tpu.dma_semaphore, #tpu.memory_space<semaphore_mem>>)
    %dma_wait3A_180 = arith.constant 0 : i32
    %dma_wait3A_181 = arith.constant 0 : i32
    %dma_wait3A_182 = tpu.memref_slice %arg18[%dma_wait3A_180, %dma_wait3A_181] : memref<64x128xf32, #tpu.memory_space<vmem>> -> memref<64x128xf32, #tpu.memory_space<vmem>>
    %dma_wait3A_183 = arith.constant 0 : i32
    %dma_wait3A_184 = tpu.memref_slice %arg10[%dma_wait3A_183] : memref<64xi32, #tpu.memory_space<vmem>> -> memref<64xi32, #tpu.memory_space<vmem>>
    %dma_wait3A_185 = arith.constant 0 : i32
    %dma_wait3A_186 = arith.constant 0 : i32
    %dma_wait3A_187 = tpu.memref_slice %arg3[%dma_wait3A_185, %dma_wait3A_186] : memref<100000x128xf32, #tpu.memory_space<hbm>> -> memref<100000x128xf32, #tpu.memory_space<hbm>>
    tpu.wait_indirect_dma semaphore(%arg26 : memref<!tpu.dma_semaphore, #tpu.memory_space<semaphore_mem>>) src(%dma_wait3A_187 : memref<100000x128xf32, #tpu.memory_space<hbm>>) dst(%dma_wait3A_182 : memref<64x128xf32, #tpu.memory_space<vmem>>)
    %add3A_188 = arith.constant 12704 : i32
    %add3A_189 = arith.addi %add3A_188, %add3A : i32
    %mul3A_190 = arith.constant 64 : i32
    %mul3A_191 = arith.muli %add3A_189, %mul3A_190 : i32
    %dma_start3A_192 = arith.constant 0 : i32
    %dma_start3A_193 = tpu.memref_slice %arg4[%mul3A_191, %dma_start3A_192] : memref<819200x128xf32, #tpu.memory_space<hbm>> -> memref<64x128xf32, #tpu.memory_space<hbm>>
    %dma_start3A_194 = arith.constant 0 : i32
    %dma_start3A_195 = tpu.memref_slice %arg4[%mul3A_191, %dma_start3A_194] : memref<819200x128xf32, #tpu.memory_space<hbm>> -> memref<64x128xf32, #tpu.memory_space<hbm>>
    tpu.enqueue_dma source(%arg18 : memref<64x128xf32, #tpu.memory_space<vmem>>) target(%dma_start3A_195 : memref<64x128xf32, #tpu.memory_space<hbm>>) target_semaphore(%arg34 : memref<!tpu.dma_semaphore, #tpu.memory_space<semaphore_mem>>)
    %dma_wait3A_196 = arith.constant 0 : i32
    %dma_wait3A_197 = arith.constant 0 : i32
    %dma_wait3A_198 = tpu.memref_slice %arg19[%dma_wait3A_196, %dma_wait3A_197] : memref<64x128xf32, #tpu.memory_space<vmem>> -> memref<64x128xf32, #tpu.memory_space<vmem>>
    %dma_wait3A_199 = arith.constant 0 : i32
    %dma_wait3A_200 = tpu.memref_slice %arg11[%dma_wait3A_199] : memref<64xi32, #tpu.memory_space<vmem>> -> memref<64xi32, #tpu.memory_space<vmem>>
    %dma_wait3A_201 = arith.constant 0 : i32
    %dma_wait3A_202 = arith.constant 0 : i32
    %dma_wait3A_203 = tpu.memref_slice %arg3[%dma_wait3A_201, %dma_wait3A_202] : memref<100000x128xf32, #tpu.memory_space<hbm>> -> memref<100000x128xf32, #tpu.memory_space<hbm>>
    tpu.wait_indirect_dma semaphore(%arg27 : memref<!tpu.dma_semaphore, #tpu.memory_space<semaphore_mem>>) src(%dma_wait3A_203 : memref<100000x128xf32, #tpu.memory_space<hbm>>) dst(%dma_wait3A_198 : memref<64x128xf32, #tpu.memory_space<vmem>>)
    %add3A_204 = arith.constant 12736 : i32
    %add3A_205 = arith.addi %add3A_204, %add3A : i32
    %mul3A_206 = arith.constant 64 : i32
    %mul3A_207 = arith.muli %add3A_205, %mul3A_206 : i32
    %dma_start3A_208 = arith.constant 0 : i32
    %dma_start3A_209 = tpu.memref_slice %arg4[%mul3A_207, %dma_start3A_208] : memref<819200x128xf32, #tpu.memory_space<hbm>> -> memref<64x128xf32, #tpu.memory_space<hbm>>
    %dma_start3A_210 = arith.constant 0 : i32
    %dma_start3A_211 = tpu.memref_slice %arg4[%mul3A_207, %dma_start3A_210] : memref<819200x128xf32, #tpu.memory_space<hbm>> -> memref<64x128xf32, #tpu.memory_space<hbm>>
    tpu.enqueue_dma source(%arg19 : memref<64x128xf32, #tpu.memory_space<vmem>>) target(%dma_start3A_211 : memref<64x128xf32, #tpu.memory_space<hbm>>) target_semaphore(%arg35 : memref<!tpu.dma_semaphore, #tpu.memory_space<semaphore_mem>>)
    %dma_wait3A_212 = arith.constant 0 : i32
    %dma_wait3A_213 = arith.constant 0 : i32
    %dma_wait3A_214 = tpu.memref_slice %arg20[%dma_wait3A_212, %dma_wait3A_213] : memref<64x128xf32, #tpu.memory_space<vmem>> -> memref<64x128xf32, #tpu.memory_space<vmem>>
    %dma_wait3A_215 = arith.constant 0 : i32
    %dma_wait3A_216 = tpu.memref_slice %arg12[%dma_wait3A_215] : memref<64xi32, #tpu.memory_space<vmem>> -> memref<64xi32, #tpu.memory_space<vmem>>
    %dma_wait3A_217 = arith.constant 0 : i32
    %dma_wait3A_218 = arith.constant 0 : i32
    %dma_wait3A_219 = tpu.memref_slice %arg3[%dma_wait3A_217, %dma_wait3A_218] : memref<100000x128xf32, #tpu.memory_space<hbm>> -> memref<100000x128xf32, #tpu.memory_space<hbm>>
    tpu.wait_indirect_dma semaphore(%arg28 : memref<!tpu.dma_semaphore, #tpu.memory_space<semaphore_mem>>) src(%dma_wait3A_219 : memref<100000x128xf32, #tpu.memory_space<hbm>>) dst(%dma_wait3A_214 : memref<64x128xf32, #tpu.memory_space<vmem>>)
    %add3A_220 = arith.constant 12768 : i32
    %add3A_221 = arith.addi %add3A_220, %add3A : i32
    %mul3A_222 = arith.constant 64 : i32
    %mul3A_223 = arith.muli %add3A_221, %mul3A_222 : i32
    %dma_start3A_224 = arith.constant 0 : i32
    %dma_start3A_225 = tpu.memref_slice %arg4[%mul3A_223, %dma_start3A_224] : memref<819200x128xf32, #tpu.memory_space<hbm>> -> memref<64x128xf32, #tpu.memory_space<hbm>>
    %dma_start3A_226 = arith.constant 0 : i32
    %dma_start3A_227 = tpu.memref_slice %arg4[%mul3A_223, %dma_start3A_226] : memref<819200x128xf32, #tpu.memory_space<hbm>> -> memref<64x128xf32, #tpu.memory_space<hbm>>
    tpu.enqueue_dma source(%arg20 : memref<64x128xf32, #tpu.memory_space<vmem>>) target(%dma_start3A_227 : memref<64x128xf32, #tpu.memory_space<hbm>>) target_semaphore(%arg36 : memref<!tpu.dma_semaphore, #tpu.memory_space<semaphore_mem>>)
    %dma_wait3A_228 = arith.constant 0 : i32
    %dma_wait3A_229 = arith.constant 0 : i32
    %dma_wait3A_230 = tpu.memref_slice %arg4[%dma_wait3A_228, %dma_wait3A_229] : memref<819200x128xf32, #tpu.memory_space<hbm>> -> memref<64x128xf32, #tpu.memory_space<hbm>>
    %dma_wait3A_231 = arith.constant 0 : i32
    %dma_wait3A_232 = arith.constant 0 : i32
    %dma_wait3A_233 = tpu.memref_slice %arg4[%dma_wait3A_231, %dma_wait3A_232] : memref<819200x128xf32, #tpu.memory_space<hbm>> -> memref<64x128xf32, #tpu.memory_space<hbm>>
    tpu.wait_dma2 semaphore(%arg29 : memref<!tpu.dma_semaphore, #tpu.memory_space<semaphore_mem>>) src(%arg13 : memref<64x128xf32, #tpu.memory_space<vmem>>) dst(%dma_wait3A_233 : memref<64x128xf32, #tpu.memory_space<hbm>>)
    %dma_wait3A_234 = arith.constant 0 : i32
    %dma_wait3A_235 = arith.constant 0 : i32
    %dma_wait3A_236 = tpu.memref_slice %arg4[%dma_wait3A_234, %dma_wait3A_235] : memref<819200x128xf32, #tpu.memory_space<hbm>> -> memref<64x128xf32, #tpu.memory_space<hbm>>
    %dma_wait3A_237 = arith.constant 0 : i32
    %dma_wait3A_238 = arith.constant 0 : i32
    %dma_wait3A_239 = tpu.memref_slice %arg4[%dma_wait3A_237, %dma_wait3A_238] : memref<819200x128xf32, #tpu.memory_space<hbm>> -> memref<64x128xf32, #tpu.memory_space<hbm>>
    tpu.wait_dma2 semaphore(%arg30 : memref<!tpu.dma_semaphore, #tpu.memory_space<semaphore_mem>>) src(%arg14 : memref<64x128xf32, #tpu.memory_space<vmem>>) dst(%dma_wait3A_239 : memref<64x128xf32, #tpu.memory_space<hbm>>)
    %dma_wait3A_240 = arith.constant 0 : i32
    %dma_wait3A_241 = arith.constant 0 : i32
    %dma_wait3A_242 = tpu.memref_slice %arg4[%dma_wait3A_240, %dma_wait3A_241] : memref<819200x128xf32, #tpu.memory_space<hbm>> -> memref<64x128xf32, #tpu.memory_space<hbm>>
    %dma_wait3A_243 = arith.constant 0 : i32
    %dma_wait3A_244 = arith.constant 0 : i32
    %dma_wait3A_245 = tpu.memref_slice %arg4[%dma_wait3A_243, %dma_wait3A_244] : memref<819200x128xf32, #tpu.memory_space<hbm>> -> memref<64x128xf32, #tpu.memory_space<hbm>>
    tpu.wait_dma2 semaphore(%arg31 : memref<!tpu.dma_semaphore, #tpu.memory_space<semaphore_mem>>) src(%arg15 : memref<64x128xf32, #tpu.memory_space<vmem>>) dst(%dma_wait3A_245 : memref<64x128xf32, #tpu.memory_space<hbm>>)
    %dma_wait3A_246 = arith.constant 0 : i32
    %dma_wait3A_247 = arith.constant 0 : i32
    %dma_wait3A_248 = tpu.memref_slice %arg4[%dma_wait3A_246, %dma_wait3A_247] : memref<819200x128xf32, #tpu.memory_space<hbm>> -> memref<64x128xf32, #tpu.memory_space<hbm>>
    %dma_wait3A_249 = arith.constant 0 : i32
    %dma_wait3A_250 = arith.constant 0 : i32
    %dma_wait3A_251 = tpu.memref_slice %arg4[%dma_wait3A_249, %dma_wait3A_250] : memref<819200x128xf32, #tpu.memory_space<hbm>> -> memref<64x128xf32, #tpu.memory_space<hbm>>
    tpu.wait_dma2 semaphore(%arg32 : memref<!tpu.dma_semaphore, #tpu.memory_space<semaphore_mem>>) src(%arg16 : memref<64x128xf32, #tpu.memory_space<vmem>>) dst(%dma_wait3A_251 : memref<64x128xf32, #tpu.memory_space<hbm>>)
    %dma_wait3A_252 = arith.constant 0 : i32
    %dma_wait3A_253 = arith.constant 0 : i32
    %dma_wait3A_254 = tpu.memref_slice %arg4[%dma_wait3A_252, %dma_wait3A_253] : memref<819200x128xf32, #tpu.memory_space<hbm>> -> memref<64x128xf32, #tpu.memory_space<hbm>>
    %dma_wait3A_255 = arith.constant 0 : i32
    %dma_wait3A_256 = arith.constant 0 : i32
    %dma_wait3A_257 = tpu.memref_slice %arg4[%dma_wait3A_255, %dma_wait3A_256] : memref<819200x128xf32, #tpu.memory_space<hbm>> -> memref<64x128xf32, #tpu.memory_space<hbm>>
    tpu.wait_dma2 semaphore(%arg33 : memref<!tpu.dma_semaphore, #tpu.memory_space<semaphore_mem>>) src(%arg17 : memref<64x128xf32, #tpu.memory_space<vmem>>) dst(%dma_wait3A_257 : memref<64x128xf32, #tpu.memory_space<hbm>>)
    %dma_wait3A_258 = arith.constant 0 : i32
    %dma_wait3A_259 = arith.constant 0 : i32
    %dma_wait3A_260 = tpu.memref_slice %arg4[%dma_wait3A_258, %dma_wait3A_259] : memref<819200x128xf32, #tpu.memory_space<hbm>> -> memref<64x128xf32, #tpu.memory_space<hbm>>
    %dma_wait3A_261 = arith.constant 0 : i32
    %dma_wait3A_262 = arith.constant 0 : i32
    %dma_wait3A_263 = tpu.memref_slice %arg4[%dma_wait3A_261, %dma_wait3A_262] : memref<819200x128xf32, #tpu.memory_space<hbm>> -> memref<64x128xf32, #tpu.memory_space<hbm>>
    tpu.wait_dma2 semaphore(%arg34 : memref<!tpu.dma_semaphore, #tpu.memory_space<semaphore_mem>>) src(%arg18 : memref<64x128xf32, #tpu.memory_space<vmem>>) dst(%dma_wait3A_263 : memref<64x128xf32, #tpu.memory_space<hbm>>)
    %dma_wait3A_264 = arith.constant 0 : i32
    %dma_wait3A_265 = arith.constant 0 : i32
    %dma_wait3A_266 = tpu.memref_slice %arg4[%dma_wait3A_264, %dma_wait3A_265] : memref<819200x128xf32, #tpu.memory_space<hbm>> -> memref<64x128xf32, #tpu.memory_space<hbm>>
    %dma_wait3A_267 = arith.constant 0 : i32
    %dma_wait3A_268 = arith.constant 0 : i32
    %dma_wait3A_269 = tpu.memref_slice %arg4[%dma_wait3A_267, %dma_wait3A_268] : memref<819200x128xf32, #tpu.memory_space<hbm>> -> memref<64x128xf32, #tpu.memory_space<hbm>>
    tpu.wait_dma2 semaphore(%arg35 : memref<!tpu.dma_semaphore, #tpu.memory_space<semaphore_mem>>) src(%arg19 : memref<64x128xf32, #tpu.memory_space<vmem>>) dst(%dma_wait3A_269 : memref<64x128xf32, #tpu.memory_space<hbm>>)
    %dma_wait3A_270 = arith.constant 0 : i32
    %dma_wait3A_271 = arith.constant 0 : i32
    %dma_wait3A_272 = tpu.memref_slice %arg4[%dma_wait3A_270, %dma_wait3A_271] : memref<819200x128xf32, #tpu.memory_space<hbm>> -> memref<64x128xf32, #tpu.memory_space<hbm>>
    %dma_wait3A_273 = arith.constant 0 : i32
    %dma_wait3A_274 = arith.constant 0 : i32
    %dma_wait3A_275 = tpu.memref_slice %arg4[%dma_wait3A_273, %dma_wait3A_274] : memref<819200x128xf32, #tpu.memory_space<hbm>> -> memref<64x128xf32, #tpu.memory_space<hbm>>
    tpu.wait_dma2 semaphore(%arg36 : memref<!tpu.dma_semaphore, #tpu.memory_space<semaphore_mem>>) src(%arg20 : memref<64x128xf32, #tpu.memory_space<vmem>>) dst(%dma_wait3A_275 : memref<64x128xf32, #tpu.memory_space<hbm>>)
    return
  }
}

</mosaic_0001>

<sc_bundles>
// kernel: kernel.3.cloned.1.call-start
scs
__scs_entry_jumppad:
0x0: {  	(pc) =	sbr.rel $0x88, $3  }
0x1: {  	(tag) =	ssettag $0x0;
	lr =	simm.s32 $0x1  }
0x2: {  	[smem:$0x3F9F] =	sst lr;
	_ =	strace $0xD0000000  }
0x3: {  	_ = 	snop  }
0x4: {  	_ = 	snop  }
0x5: {  	_ = 	snop  }
0x6: {  	_ = 	snop  }
0x7: {  	_ = 	snop  }
__scs_overlays_trampoline_lowered:
0x8: {  	[smem:$0x3FAE] =	sst s0  }
0x9: {  	[smem:$0x3FAF] =	sst s1  }
0xa: {  	[smem:$0x3FB0] =	sst s2  }
0xb: {  	[smem:$0x3FB1] =	sst s3  }
0xc: {  	[smem:$0x3FB2] =	sst s4  }
0xd: {  	[smem:$0x3FB3] =	sst s5  }
0xe: {  	[smem:$0x3FB4] =	sst s6  }
0xf: {  	[smem:$0x3FB5] =	sst s7  }
0x10: {  	[smem:$0x3FB6] =	sst s8  }
0x11: {  	[smem:$0x3FB7] =	sst s9;
	s0 =	simm.s32 @!p0 $0x0  }
0x12: {  	s1 =	sld [smem:$0x3F9D];
	s0 =	simm.s32 @p0 $0x1  }
0x13: {  	[smem:$0x3FB8] =	sst s0;
	s0 =	simm.s32 @!p1 $0x0  }
0x14: {  	s2 =	sld [smem:$0x3F9C];
	s0 =	simm.s32 @p1 $0x1  }
0x15: {  	[smem:$0x3FB9] =	sst s0;
	s0 =	simm.s32 @!p2 $0x0  }
0x16: {  	s3 =	sld [smem:$0x3FDB];
	s0 =	simm.s32 @p2 $0x1  }
0x17: {  	s4 =	simm.s32 $0x1BF5;
	[smem:$0x3FBB] =	sst s0  }
0x18: {  	s0 =	sld [smem:$0x3F9E];
	_ =	swait.ge [sflag:s4], $0x0  }
0x19: {  	s7 =	sld [smem:$0x3F9F]  }
0x1a: {  	s8 =	sadd.s32 $0xFFFFE003, lr  }
0x1b: {  	s9 =	sadd.s32 $0xFFFFFEF7, lr;
	s5 =	simm.s32 $0xFFFFFFFF;
	p2 =	slt.u32 s8, $0xFFFFF086  }
0x1c: {  	p1 =	slt.u32 s9, $0xF7A;
	s5 =	simm.s32 @!p2 $0x0  }
0x1d: {  	s5 =	simm.s32 @p1 $0x1;
	p0 =	seq.s32 s7, s2  }
0x1e: {  	s7 =	smul.u32 @!p0 $0xF7A, s2;
	p2 =	seq.s32 @!p0 s5, $0x0  }
0x1f: {  	s9 =	smul.u32 $0xF7A, s1;
	s8 =	simm.s32 @!p0 $0x1BF5;
	p2 =	por !p2, p0  }
0x20: {  	[sflag:s8] =	ssyncset.s32 @!p0 $0xFFFFF086;
	s6 =	sadd.s32 @!p0 s3, s7;
	s7 =	simm.s32 @!p0 $0x108  }
0x21: {  	s3 =	sadd.s32 s3, s9;
	s6 =	sadd.s32 @!p0 $0x88, s6;
	s7 =	simm.s32 @p2 $0x1082  }
0x22: {  	[simem:s7], [sflag:s8] =	dma.local @!p0 [hbm:s6], $0xF7A  }
0x23: {  	s9 =	sor.u32 $0xD0000000, s2;
	s6 =	simm.s32 $0x108;
	_ =	swait.ge @!p0 [sflag:s8], $0x0  }
0x24: {  	s3 =	sadd.s32 $0x88, s3;
	s6 =	simm.s32 @!p1 $0x1082;
	[sflag:s4] =	ssyncset.s32 $0xFFFFF086  }
0x25: {  	[simem:s6], [sflag:s4] =	dma.local [hbm:s3], $0xF7A  }
0x26: {  	[smem:$0x3F9F] =	sst s1;
	(tag) =	ssettag s2;
	_ =	strace s9  }
0x27: {  	s1 =	sld [smem:$0x3FAF]  }
0x28: {  	s2 =	sld [smem:$0x3FB0]  }
0x29: {  	s4 =	sld [smem:$0x3FB2]  }
0x2a: {  	p0 =	seq.s32 s5, $0x0;
	s5 =	sld [smem:$0x3FB3]  }
0x2b: {  	s6 =	sld [smem:$0x3FB4]  }
0x2c: {  	s7 =	sld [smem:$0x3FB5]  }
0x2d: {  	s3 =	simm.s32 $0x108;
	s8 =	sld [smem:$0x3FB6]  }
0x2e: {  	s3 =	simm.s32 @!p0 $0x1082;
	s9 =	sld [smem:$0x3FB7]  }
0x2f: {  	lr =	sadd.s32 s0, s3;
	s0 =	sld [smem:$0x3FAE]  }
0x30: {  	s3 =	sld [smem:$0x3FB1]  }
0x31: {  	[smem:$0x3FBA] =	sst s10  }
0x32: {  	s10 =	sld [smem:$0x3FB8];
	_ =	sdelay $0x3  }
0x33: {  	p0 =	seq.s32 s10, $0x1;
	s10 =	sld [smem:$0x3FBA];
	_ =	sdelay $0x3  }
0x34: {  	[smem:$0x3FBA] =	sst s10  }
0x35: {  	s10 =	sld [smem:$0x3FB9];
	_ =	sdelay $0x3  }
0x36: {  	p1 =	seq.s32 s10, $0x1;
	s10 =	sld [smem:$0x3FBA];
	_ =	sdelay $0x3  }
0x37: {  	[smem:$0x3FBA] =	sst s10  }
0x38: {  	s10 =	sld [smem:$0x3FBB]  }
0x39: {  	_ = 	snop;
	(pc) =	sbr.ind lr, $3  }
0x3a: {  	_ = 	snop  }
0x3b: {  	_ = 	snop  }
0x3c: {  	p2 =	seq.s32 s10, $0x1;
	s10 =	sld [smem:$0x3FBA]  }
0x3d: {  	_ =	shalt  }
0x3e: {  	_ =	shalt  }
0x3f: {  	_ =	shalt  }
0x40: {  	_ =	shalt  }
0x41: {  	_ =	shalt  }
0x42: {  	_ =	shalt  }
0x43: {  	_ =	shalt  }
0x44: {  	_ =	shalt  }
0x45: {  	_ =	shalt  }
0x46: {  	_ =	shalt  }
0x47: {  	_ =	shalt  }
0x48: {  	_ =	shalt  }
0x49: {  	_ =	shalt  }
0x4a: {  	_ =	shalt  }
0x4b: {  	_ =	shalt  }
0x4c: {  	_ =	shalt  }
0x4d: {  	_ =	shalt  }
0x4e: {  	_ =	shalt  }
0x4f: {  	_ =	shalt  }
0x50: {  	_ =	shalt  }
0x51: {  	_ =	shalt  }
0x52: {  	_ =	shalt  }
0x53: {  	_ =	shalt  }
0x54: {  	_ =	shalt  }
0x55: {  	_ =	shalt  }
0x56: {  	_ =	shalt  }
0x57: {  	_ =	shalt  }
0x58: {  	_ =	shalt  }
0x59: {  	_ =	shalt  }
0x5a: {  	_ =	shalt  }
0x5b: {  	_ =	shalt  }
0x5c: {  	_ =	shalt  }
0x5d: {  	_ =	shalt  }
0x5e: {  	_ =	shalt  }
0x5f: {  	_ =	shalt  }
0x60: {  	_ =	shalt  }
0x61: {  	_ =	shalt  }
0x62: {  	_ =	shalt  }
0x63: {  	_ =	shalt  }
0x64: {  	_ =	shalt  }
0x65: {  	_ =	shalt  }
0x66: {  	_ =	shalt  }
0x67: {  	_ =	shalt  }
0x68: {  	_ =	shalt  }
0x69: {  	_ =	shalt  }
0x6a: {  	_ =	shalt  }
0x6b: {  	_ =	shalt  }
0x6c: {  	_ =	shalt  }
0x6d: {  	_ =	shalt  }
0x6e: {  	_ =	shalt  }
0x6f: {  	_ =	shalt  }
0x70: {  	_ =	shalt  }
0x71: {  	_ =	shalt  }
0x72: {  	_ =	shalt  }
0x73: {  	_ =	shalt  }
0x74: {  	_ =	shalt  }
0x75: {  	_ =	shalt  }
0x76: {  	_ =	shalt  }
0x77: {  	_ =	shalt  }
0x78: {  	_ =	shalt  }
0x79: {  	_ =	shalt  }
0x7a: {  	_ =	shalt  }
0x7b: {  	_ =	shalt  }
0x7c: {  	_ =	shalt  }
0x7d: {  	_ =	shalt  }
0x7e: {  	_ =	shalt  }
0x7f: {  	_ =	shalt  }
0x80: {  	_ =	shalt  }
0x81: {  	_ =	shalt  }
0x82: {  	_ =	shalt  }
0x83: {  	_ =	shalt  }
0x84: {  	_ =	shalt  }
0x85: {  	_ =	shalt  }
0x86: {  	_ =	shalt  }
0x87: {  	_ =	shalt  }
.Lfunc_end0:
.L_simem_size_0:
called_computation_lowered:
.L_overlay_start_0:
0x88: {  	s2 =	sld [smem:$0x3FD9]  }
0x89: {  	s3 =	sld [smem:$0x3FFE];
	_ =	sdelay $0x1  }
0x8a: {  	s1 =	srdreg.scid  }
0x8b: {  	s0 =	sand.u32 $0x1, s1  }
0x8c: {  	s17 =	sshll.u32 s0, $0xA;
	s2 =	sadd.s32 s3, s2  }
0x8d: {  	s2 =	sadd.s32 s2, s17  }
0x8e: {  	[smem:$0x3FC6] =	sst s2  }
0x8f: {  	_ = 	snop  }
0x90: {  	s2 =	sld [smem:$0x3FC8]  }
0x91: {  	s18 =	sld [smem:$0x3FD0];
	(tm) =	ssettm $0x1  }
0x92: {  	s4 =	sld [smem:$0x3FFB];
	_ =	sdelay $0x3  }
0x93: {  	_ =	strace s4  }
0x94: {  	s4 =	sld [smem:$0x3FFC];
	_ =	sdelay $0x3  }
0x95: {  	_ =	strace s4  }
0x96: {  	s4 =	sld [smem:$0x3FFD];
	_ =	sdelay $0x3  }
0x97: {  	_ =	strace s4  }
0x98: {  	_ =	strace $0x8FFFFFFF  }
0x99: {  	s19 =	sld [smem:$0x3FDB];
	_ =	sdelay $0x1  }
0x9a: {  	s5 =	simm.s32 $_scs_section_size  }
0x9b: {  	s6 =	simm.s32 $_size__tile_overlayer_lowered;
	s7 =	simm.s32 $_tile_overlayer_lowered  }
0x9c: {  	s22 =	simm.s32 $0x1BFF;
	s21 =	sshll.u32 s7, $0x1;
	s4 =	sadd.s32 s5, s19  }
0x9d: {  	s8 =	simm.s32 $0x0;
	s20 =	sshll.u32 s6, $0x1;
	s6 =	sadd.s32 s21, s4  }
0x9e: {  	[timem:s8], [sflag:s22] =	dma.local [hbm:s6], s20  }
0x9f: {  	_ =	swait.ge [sflag:s22], s20  }
0xa0: {  	s5 =	ssub.s32 $0x0, s20;
	[sflag:s22] =	ssyncset.done $0x0  }
0xa1: {  	[sflag:s22] =	ssyncadd.s32 s5;
	_ =	sdelay $0x1  }
0xa2: {  	s23 =	simm.s32 $0x1B8B  }
0xa3: {  	_ =	swait.ge [sflag:s23], $0x1  }
0xa4: {  	[sflag:s23] =	ssyncset.done $0x0  }
0xa5: {  	s25 =	simm.s32 $0x1B8E;
	s24 =	sld [smem:$0x3FFE];
	[sflag:s23] =	ssyncadd.s32 $0xFFFFFFFF  }
0xa6: {  	s26 =	simm.s32 $execute0_lowered;
	[smem:$0x3FD2] =	sst s25  }
0xa7: {  	s6 =	sshll.u32 s26, $0x1;
	_ =	strace $0x80000046;
	[dreg:$0x1] =	wrdreg $0xFFFFFFFF  }
0xa8: {  	s28 =	simm.s32 $_size_execute0_lowered;
	s4 =	sadd.s32 s4, s6;
	[dreg:$0x0] =	wrdreg $0x0  }
0xa9: {  	s6 =	sshll.u32 s28, $0x1;
	[dreg:$0x2] =	wrdreg s4  }
0xaa: {  	[dreg:$0x3] =	wrdreg s6  }
0xab: {  	[dreg:$0x4] =	wrdreg $0xC0  }
0xac: {  	_ =	task [dreg:s8], $0x5FFFF  }
0xad: {  	[dreg:$0x1] =	wrdreg $0xFFFFFFFF  }
0xae: {  	[dreg:$0x0] =	wrdreg $0x60  }
0xaf: {  	[dreg:$0x2] =	wrdreg s24  }
0xb0: {  	[dreg:$0x3] =	wrdreg s2  }
0xb1: {  	[dreg:$0x4] =	wrdreg s18  }
0xb2: {  	[dreg:$0x5] =	wrdreg $0x9  }
0xb3: {  	_ =	task.clear_ibuf [dreg:s8], $0x6FFFF;
	_ =	strace $0x90000046  }
0xb4: {  	s29 =	simm.s32 $0x9;
	_ =	strace $0x80000048  }
0xb5: {  	_ =	swait.ge [sflag:s29], $0x1  }
0xb6: {  	[sflag:s29] =	ssyncadd.s32 $0xFFFFFFFF  }
0xb7: {  	_ =	strace $0x90000048  }
0xb8: {  	_ =	sfence  }
0xb9: {  	s30 =	sld [smem:$0x0];
	_ =	sdelay $0x2  }
0xba: {  	s31 =	sshll.u32 s1, $0xD;
	s1 =	sshrl.u32 s1, $0x2  }
0xbb: {  	s3 =	sand.u32 $0x4000, s31;
	s1 =	sadd.s32 s1, s30  }
0xbc: {  	s0 =	sor.u32 s3, s0;
	s1 =	sshll.u32 s1, $0x11  }
0xbd: {  	s0 =	sor.u32 s1, s0  }
0xbe: {  	s0 =	sadd.s32 $0x8F2B, s0  }
0xbf: {  	[sflag:s0] =	ssyncadd.remote.s32 $0x1  }
0xc0: {  	_ =	sfence.sel $0xFFFF  }
0xc1: {  	[dreg:$0x0] =	wrdreg $0xFFFFFFFF;
	(pc) =	sbr.abs _section_cstart, $3  }
0xc2: {  	[dreg:$0x1] =	wrdreg $0xFFFFFFFF  }
0xc3: {  	_ =	task.clear_ibuf [dreg:s8], $0x2FFFF;
	_ =	strace $0x9FFFFFFF  }
0xc4: {  	(tm) =	ssettm $0x7FFFFFFF  }
0xc5: {  	_ =	shalt  }
tec
execute0_lowered:
.L_overlay_start_1:
0x0: {  	(tag) =	ssettag $0x1  }
0x1: {  	s0 =	rddreg [dreg:$0x0]  }
0x2: {  	s2 =	rddreg [dreg:$0x1];
	s1 =	srdreg.scid  }
0x3: {  	s9 =	stileid.u32;
	s4 =	rddreg [dreg:$0x2]  }
0x4: {  	s3 =	simm.s32 $0x0;
	s1 =	sand.u32 $0x1, s1;
	s5 =	sshll.u32 s9, $0x1  }
0x5: {  	s28 =	simm.s32 $0x15;
	s30 =	simm.s32 $0x16;
	s5 =	sor.u32 s1, s5  }
0x6: {  	s31 =	simm.s32 $0xE;
	s0 =	sadd.s32 $0x400, s0;
	s7 =	sshll.u32 s5, $0x3  }
0x7: {  	[smem:$0x7FF] =	sst s3;
	s23 =	sshll.u32 s9, $0xB;
	s7 =	sadd.s32 s0, s7  }
0x8: {  	_ =	strace $0x80000047;
	s11 =	sadd.s32 $0x100, s7;
	[dreg:$0x5] =	wrdreg s7  }
0x9: {  	s25 =	sshll.u32 s9, $0x4;
	s12 =	sadd.s32 $0x200, s7;
	[dreg:$0x6] =	wrdreg s11  }
0xa: {  	s9 =	simm.s32 $0x80;
	s13 =	sadd.s32 $0x300, s7;
	[dreg:$0x7] =	wrdreg s12  }
0xb: {  	s6 =	ssub.s32 $0x2, s1;
	s14 =	sadd.s32 $0x400, s7;
	[dreg:$0x8] =	wrdreg s13  }
0xc: {  	s26 =	sshll.u32 s1, $0xA;
	s15 =	sadd.s32 $0x500, s7;
	[dreg:$0x9] =	wrdreg s14  }
0xd: {  	s5 =	sshll.u32 s5, $0xA;
	s16 =	sadd.s32 $0x600, s7;
	[dreg:$0xa] =	wrdreg s15  }
0xe: {  	s5 =	sadd.s32 s5, s4;
	s7 =	sadd.s32 $0x700, s7;
	[dreg:$0xb] =	wrdreg s16  }
0xf: {  	s1 =	sshll.u32 s1, $0x3;
	s17 =	sadd.s32 $0xC40000, s5;
	[dreg:$0xc] =	wrdreg s7  }
0x10: {  	s8 =	sshrl.u32 s6, $0x1;
	s18 =	sadd.s32 $0xC48000, s5;
	[dreg:$0xd] =	wrdreg s17  }
0x11: {  	s6 =	ssub.s32 s6, s8;
	s19 =	sadd.s32 $0xC50000, s5;
	[dreg:$0xe] =	wrdreg s18  }
0x12: {  	s4 =	sadd.s32 s23, s4;
	s20 =	sadd.s32 $0xC58000, s5;
	[dreg:$0xf] =	wrdreg s19  }
0x13: {  	s0 =	sadd.s32 s25, s0;
	s21 =	sadd.s32 $0xC60000, s5;
	[dreg:$0x10] =	wrdreg s20  }
0x14: {  	s23 =	simm.s32 $0x40;
	s22 =	sadd.s32 $0xC68000, s5;
	[dreg:$0x11] =	wrdreg s21  }
0x15: {  	s25 =	simm.s32 $0x14;
	s24 =	sadd.s32 $0xC70000, s5;
	[dreg:$0x12] =	wrdreg s22  }
0x16: {  	s5 =	sadd.s32 $0xC78000, s5;
	s4 =	sadd.s32 s26, s4;
	[dreg:$0x13] =	wrdreg s24  }
0x17: {  	s0 =	sadd.s32 s1, s0;
	s29 =	smax.u32 s6, $0x1;
	[dreg:$0x14] =	wrdreg s5  }
0x18: {  	s1 =	simm.s32 $0x17;
	s6 =	simm.s32 $0x10;
	[dreg:$0x15] =	wrdreg s29  }
0x19: {  	[dreg:$0x4] =	wrdreg s4;
	s0 =	sadd.s32 $0xF00, s0;
	s12 =	simm.s32 $0x100  }
0x1a: {  	s14 =	simm.s32 $0x180;
	s22 =	simm.s32 $0x13;
	s5 =	simm.s32 $0x18  }
0x1b: {  	s4 =	simm.s32 $0x0;
	[dreg:$0x16] =	wrdreg s0;
	s0 =	simm.s32 $0xF  }
.LBB2_1:
0x1c: {  	[dreg:$0x17] =	wrdreg s4  }
0x1d: {  	s7 =	rddreg [dreg:$0x5];
	s8 =	simm.s32 $0x19  }
0x1e: {  	[tilespmem:s3], [sflag:$0x19] =	stream.linear.gather [hbm4b:s7+s3], $0x40, $0x38;
	[tilespmem:$0x10400] =	vst v63  }
0x1f: {  	_ =	swait.ge [sflag:s8], $0x40  }
0x20: {  	[sflag:s8] =	ssyncset.done $0x0  }
0x21: {  	s21 =	simm.s32 $0x400;
	[sflag:s8] =	ssyncadd.s32 $0xFFFFFFC0  }
0x22: {  	[tilespmem:s21], [sflag:$0x1] =	stream.indirect.gather [hbm4b:s2+s23], $0x80, s3, s23, $0xb8;
	[tilespmem:$0x10400] =	vst v63  }
0x23: {  	s15 =	rddreg [dreg:$0x6]  }
0x24: {  	[tilespmem:s9], [sflag:$0x19] =	stream.linear.gather [hbm4b:s15+s3], $0x40, $0x38;
	[tilespmem:$0x10400] =	vst v63  }
0x25: {  	_ =	swait.ge [sflag:s8], $0x40  }
0x26: {  	[sflag:s8] =	ssyncset.done $0x0  }
0x27: {  	s11 =	simm.s32 $0x2400;
	[sflag:s8] =	ssyncadd.s32 $0xFFFFFFC0  }
0x28: {  	[tilespmem:s11], [sflag:$0x2] =	stream.indirect.gather [hbm4b:s2+s23], $0x80, s9, s23, $0xb8;
	[tilespmem:$0x10400] =	vst v63  }
0x29: {  	s16 =	rddreg [dreg:$0x7]  }
0x2a: {  	[tilespmem:s12], [sflag:$0x19] =	stream.linear.gather [hbm4b:s16+s3], $0x40, $0x38;
	[tilespmem:$0x10400] =	vst v63  }
0x2b: {  	_ =	swait.ge [sflag:s8], $0x40  }
0x2c: {  	[sflag:s8] =	ssyncset.done $0x0  }
0x2d: {  	s13 =	simm.s32 $0x4400;
	[sflag:s8] =	ssyncadd.s32 $0xFFFFFFC0  }
0x2e: {  	[tilespmem:s13], [sflag:$0x3] =	stream.indirect.gather [hbm4b:s2+s23], $0x80, s12, s23, $0xb8;
	[tilespmem:$0x10400] =	vst v63  }
0x2f: {  	s17 =	rddreg [dreg:$0x8]  }
0x30: {  	[tilespmem:s14], [sflag:$0x19] =	stream.linear.gather [hbm4b:s17+s3], $0x40, $0x38;
	[tilespmem:$0x10400] =	vst v63  }
0x31: {  	_ =	swait.ge [sflag:s8], $0x40  }
0x32: {  	[sflag:s8] =	ssyncset.done $0x0  }
0x33: {  	s15 =	simm.s32 $0x6400;
	[sflag:s8] =	ssyncadd.s32 $0xFFFFFFC0  }
0x34: {  	[tilespmem:s15], [sflag:$0x4] =	stream.indirect.gather [hbm4b:s2+s23], $0x80, s14, s23, $0xb8;
	[tilespmem:$0x10400] =	vst v63  }
0x35: {  	s10 =	simm.s32 $0x200;
	s18 =	rddreg [dreg:$0x9]  }
0x36: {  	[tilespmem:s10], [sflag:$0x19] =	stream.linear.gather [hbm4b:s18+s3], $0x40, $0x38;
	[tilespmem:$0x10400] =	vst v63  }
0x37: {  	_ =	swait.ge [sflag:s8], $0x40  }
0x38: {  	[sflag:s8] =	ssyncset.done $0x0  }
0x39: {  	s16 =	simm.s32 $0x8400;
	[sflag:s8] =	ssyncadd.s32 $0xFFFFFFC0  }
0x3a: {  	[tilespmem:s16], [sflag:$0x5] =	stream.indirect.gather [hbm4b:s2+s23], $0x80, s10, s23, $0xb8;
	[tilespmem:$0x10400] =	vst v63  }
0x3b: {  	s24 =	simm.s32 $0x280;
	s19 =	rddreg [dreg:$0xa]  }
0x3c: {  	[tilespmem:s24], [sflag:$0x19] =	stream.linear.gather [hbm4b:s19+s3], $0x40, $0x38;
	[tilespmem:$0x10400] =	vst v63  }
0x3d: {  	_ =	swait.ge [sflag:s8], $0x40  }
0x3e: {  	[sflag:s8] =	ssyncset.done $0x0  }
0x3f: {  	s17 =	simm.s32 $0xA400;
	[sflag:s8] =	ssyncadd.s32 $0xFFFFFFC0  }
0x40: {  	[tilespmem:s17], [sflag:$0x6] =	stream.indirect.gather [hbm4b:s2+s23], $0x80, s24, s23, $0xb8;
	[tilespmem:$0x10400] =	vst v63  }
0x41: {  	s26 =	simm.s32 $0x300;
	s20 =	rddreg [dreg:$0xb]  }
0x42: {  	[tilespmem:s26], [sflag:$0x19] =	stream.linear.gather [hbm4b:s20+s3], $0x40, $0x38;
	[tilespmem:$0x10400] =	vst v63  }
0x43: {  	_ =	swait.ge [sflag:s8], $0x40  }
0x44: {  	[sflag:s8] =	ssyncset.done $0x0  }
0x45: {  	s18 =	simm.s32 $0xC400;
	[sflag:s8] =	ssyncadd.s32 $0xFFFFFFC0  }
0x46: {  	[tilespmem:s18], [sflag:$0x7] =	stream.indirect.gather [hbm4b:s2+s23], $0x80, s26, s23, $0xb8;
	[tilespmem:$0x10400] =	vst v63  }
0x47: {  	s19 =	simm.s32 $0x380;
	s4 =	rddreg [dreg:$0xc]  }
0x48: {  	[tilespmem:s19], [sflag:$0x19] =	stream.linear.gather [hbm4b:s4+s3], $0x40, $0x38;
	[tilespmem:$0x10400] =	vst v63  }
0x49: {  	_ =	swait.ge [sflag:s8], $0x40  }
0x4a: {  	[sflag:s8] =	ssyncset.done $0x0  }
0x4b: {  	s7 =	simm.s32 $0x1;
	s20 =	simm.s32 $0xE400;
	[sflag:s8] =	ssyncadd.s32 $0xFFFFFFC0  }
0x4c: {  	[tilespmem:s20], [sflag:$0x8] =	stream.indirect.gather [hbm4b:s2+s23], $0x80, s19, s23, $0xb8;
	[tilespmem:$0x10400] =	vst v63  }
0x4d: {  	_ =	swait.ge [sflag:s7], $0x2000  }
0x4e: {  	s9 =	rddreg [dreg:$0x4];
	[sflag:s7] =	ssyncset.done $0x0  }
0x4f: {  	[sflag:s7] =	ssyncadd.s32 $0xFFFFE000;
	s7 =	sadd.s32 $0x0, s9;
	s9 =	rddreg [dreg:$0x16]  }
0x50: {  	[hbm4b:s7+s3] =	stream.linear.scatter [tilespmem:s21], [sflag:$0x9], $0x2000, $0x38;
	[tilespmem:$0x10400] =	vst v63  }
0x51: {  	s4 =	sadd.s32 $0xFFFFF900, s9  }
0x52: {  	[tilespmem:s3], [sflag:$0x11] =	stream.linear.gather [hbm4b:s4+s3], $0x40, $0x38;
	[tilespmem:$0x10400] =	vst v63  }
0x53: {  	s4 =	simm.s32 $0x2  }
0x54: {  	_ =	swait.ge [sflag:s4], $0x2000  }
0x55: {  	[sflag:s4] =	ssyncset.done $0x0  }
0x56: {  	[sflag:s4] =	ssyncadd.s32 $0xFFFFE000;
	s4 =	sadd.s32 $0x8000, s7  }
0x57: {  	[hbm4b:s4+s3] =	stream.linear.scatter [tilespmem:s11], [sflag:$0xA], $0x2000, $0x38;
	[tilespmem:$0x10400] =	vst v63  }
0x58: {  	s29 =	simm.s32 $0x80;
	s4 =	sadd.s32 $0xFFFFFA00, s9  }
0x59: {  	[tilespmem:s29], [sflag:$0x12] =	stream.linear.gather [hbm4b:s4+s3], $0x40, $0x38;
	[tilespmem:$0x10400] =	vst v63  }
0x5a: {  	s4 =	simm.s32 $0x3  }
0x5b: {  	_ =	swait.ge [sflag:s4], $0x2000  }
0x5c: {  	[sflag:s4] =	ssyncset.done $0x0  }
0x5d: {  	[sflag:s4] =	ssyncadd.s32 $0xFFFFE000;
	s4 =	sadd.s32 $0x10000, s7  }
0x5e: {  	[hbm4b:s4+s3] =	stream.linear.scatter [tilespmem:s13], [sflag:$0xB], $0x2000, $0x38;
	[tilespmem:$0x10400] =	vst v63  }
0x5f: {  	s4 =	sadd.s32 $0xFFFFFB00, s9  }
0x60: {  	[tilespmem:s12], [sflag:$0x13] =	stream.linear.gather [hbm4b:s4+s3], $0x40, $0x38;
	[tilespmem:$0x10400] =	vst v63  }
0x61: {  	s4 =	simm.s32 $0x4  }
0x62: {  	_ =	swait.ge [sflag:s4], $0x2000  }
0x63: {  	[sflag:s4] =	ssyncset.done $0x0  }
0x64: {  	[sflag:s4] =	ssyncadd.s32 $0xFFFFE000;
	s4 =	sadd.s32 $0x18000, s7  }
0x65: {  	[hbm4b:s4+s3] =	stream.linear.scatter [tilespmem:s15], [sflag:$0xC], $0x2000, $0x38;
	[tilespmem:$0x10400] =	vst v63  }
0x66: {  	s4 =	sadd.s32 $0xFFFFFC00, s9  }
0x67: {  	[tilespmem:s14], [sflag:$0x14] =	stream.linear.gather [hbm4b:s4+s3], $0x40, $0x38;
	[tilespmem:$0x10400] =	vst v63  }
0x68: {  	s4 =	simm.s32 $0x5  }
0x69: {  	_ =	swait.ge [sflag:s4], $0x2000  }
0x6a: {  	[sflag:s4] =	ssyncset.done $0x0  }
0x6b: {  	[sflag:s4] =	ssyncadd.s32 $0xFFFFE000;
	s4 =	sadd.s32 $0x20000, s7  }
0x6c: {  	[hbm4b:s4+s3] =	stream.linear.scatter [tilespmem:s16], [sflag:$0xD], $0x2000, $0x38;
	[tilespmem:$0x10400] =	vst v63  }
0x6d: {  	s4 =	sadd.s32 $0xFFFFFD00, s9  }
0x6e: {  	[tilespmem:s10], [sflag:$0x15] =	stream.linear.gather [hbm4b:s4+s3], $0x40, $0x38;
	[tilespmem:$0x10400] =	vst v63  }
0x6f: {  	s4 =	simm.s32 $0x6  }
0x70: {  	_ =	swait.ge [sflag:s4], $0x2000  }
0x71: {  	[sflag:s4] =	ssyncset.done $0x0  }
0x72: {  	[sflag:s4] =	ssyncadd.s32 $0xFFFFE000;
	s4 =	sadd.s32 $0x28000, s7  }
0x73: {  	[hbm4b:s4+s3] =	stream.linear.scatter [tilespmem:s17], [sflag:$0xE], $0x2000, $0x38;
	[tilespmem:$0x10400] =	vst v63  }
0x74: {  	s4 =	sadd.s32 $0xFFFFFE00, s9  }
0x75: {  	[tilespmem:s24], [sflag:$0x16] =	stream.linear.gather [hbm4b:s4+s3], $0x40, $0x38;
	[tilespmem:$0x10400] =	vst v63  }
0x76: {  	s4 =	simm.s32 $0x7  }
0x77: {  	_ =	swait.ge [sflag:s4], $0x2000  }
0x78: {  	[sflag:s4] =	ssyncset.done $0x0  }
0x79: {  	[sflag:s4] =	ssyncadd.s32 $0xFFFFE000;
	s4 =	sadd.s32 $0x30000, s7  }
0x7a: {  	[hbm4b:s4+s3] =	stream.linear.scatter [tilespmem:s18], [sflag:$0xF], $0x2000, $0x38;
	[tilespmem:$0x10400] =	vst v63  }
0x7b: {  	s4 =	sadd.s32 $0xFFFFFF00, s9  }
0x7c: {  	[tilespmem:s26], [sflag:$0x17] =	stream.linear.gather [hbm4b:s4+s3], $0x40, $0x38;
	[tilespmem:$0x10400] =	vst v63  }
0x7d: {  	s4 =	simm.s32 $0x8  }
0x7e: {  	_ =	swait.ge [sflag:s4], $0x2000  }
0x7f: {  	[sflag:s4] =	ssyncset.done $0x0  }
0x80: {  	s7 =	sadd.s32 $0x38000, s7;
	[sflag:s4] =	ssyncadd.s32 $0xFFFFE000  }
0x81: {  	[hbm4b:s7+s3] =	stream.linear.scatter [tilespmem:s20], [sflag:$0x10], $0x2000, $0x38;
	[tilespmem:$0x10400] =	vst v63  }
0x82: {  	s4 =	simm.s32 $0x11  }
0x83: {  	[tilespmem:s19], [sflag:$0x18] =	stream.linear.gather [hbm4b:s9+s3], $0x40, $0x38;
	[tilespmem:$0x10400] =	vst v63  }
0x84: {  	_ =	swait.ge [sflag:s4], $0x40  }
0x85: {  	[sflag:s4] =	ssyncset.done $0x0  }
0x86: {  	s19 =	simm.s32 $0x9;
	[sflag:s4] =	ssyncadd.s32 $0xFFFFFFC0  }
0x87: {  	_ =	swait.ge [sflag:s19], $0x2000  }
0x88: {  	[sflag:s19] =	ssyncset.done $0x0  }
0x89: {  	[sflag:s19] =	ssyncadd.s32 $0xFFFFE000  }
0x8a: {  	[tilespmem:s21], [sflag:$0x1] =	stream.indirect.gather [hbm4b:s2+s23], $0x80, s3, s23, $0xb8;
	[tilespmem:$0x10400] =	vst v63  }
0x8b: {  	s21 =	simm.s32 $0x12  }
0x8c: {  	_ =	swait.ge [sflag:s21], $0x40  }
0x8d: {  	[sflag:s21] =	ssyncset.done $0x0  }
0x8e: {  	s20 =	simm.s32 $0xA;
	[sflag:s21] =	ssyncadd.s32 $0xFFFFFFC0  }
0x8f: {  	_ =	swait.ge [sflag:s20], $0x2000  }
0x90: {  	[sflag:s20] =	ssyncset.done $0x0  }
0x91: {  	[sflag:s20] =	ssyncadd.s32 $0xFFFFE000  }
0x92: {  	[tilespmem:s11], [sflag:$0x2] =	stream.indirect.gather [hbm4b:s2+s23], $0x80, s29, s23, $0xb8;
	[tilespmem:$0x10400] =	vst v63  }
0x93: {  	_ =	swait.ge [sflag:s22], $0x40  }
0x94: {  	[sflag:s22] =	ssyncset.done $0x0  }
0x95: {  	[sflag:s22] =	ssyncadd.s32 $0xFFFFFFC0;
	s22 =	simm.s32 $0xB  }
0x96: {  	_ =	swait.ge [sflag:s22], $0x2000  }
0x97: {  	[sflag:s22] =	ssyncset.done $0x0  }
0x98: {  	[sflag:s22] =	ssyncadd.s32 $0xFFFFE000  }
0x99: {  	[tilespmem:s13], [sflag:$0x3] =	stream.indirect.gather [hbm4b:s2+s23], $0x80, s12, s23, $0xb8;
	[tilespmem:$0x10400] =	vst v63  }
0x9a: {  	_ =	swait.ge [sflag:s25], $0x40  }
0x9b: {  	[sflag:s25] =	ssyncset.done $0x0  }
0x9c: {  	[sflag:s25] =	ssyncadd.s32 $0xFFFFFFC0;
	s25 =	simm.s32 $0xC  }
0x9d: {  	_ =	swait.ge [sflag:s25], $0x2000  }
0x9e: {  	[sflag:s25] =	ssyncset.done $0x0  }
0x9f: {  	[sflag:s25] =	ssyncadd.s32 $0xFFFFE000  }
0xa0: {  	[tilespmem:s15], [sflag:$0x4] =	stream.indirect.gather [hbm4b:s2+s23], $0x80, s14, s23, $0xb8;
	[tilespmem:$0x10400] =	vst v63  }
0xa1: {  	_ =	swait.ge [sflag:s28], $0x40  }
0xa2: {  	[sflag:s28] =	ssyncset.done $0x0  }
0xa3: {  	[sflag:s28] =	ssyncadd.s32 $0xFFFFFFC0;
	s28 =	simm.s32 $0xD  }
0xa4: {  	_ =	swait.ge [sflag:s28], $0x2000  }
0xa5: {  	[sflag:s28] =	ssyncset.done $0x0  }
0xa6: {  	[sflag:s28] =	ssyncadd.s32 $0xFFFFE000  }
0xa7: {  	[tilespmem:s16], [sflag:$0x5] =	stream.indirect.gather [hbm4b:s2+s23], $0x80, s10, s23, $0xb8;
	[tilespmem:$0x10400] =	vst v63  }
0xa8: {  	_ =	swait.ge [sflag:s30], $0x40  }
0xa9: {  	[sflag:s30] =	ssyncset.done $0x0  }
0xaa: {  	[sflag:s30] =	ssyncadd.s32 $0xFFFFFFC0  }
0xab: {  	_ =	swait.ge [sflag:s31], $0x2000  }
0xac: {  	[sflag:s31] =	ssyncset.done $0x0  }
0xad: {  	[sflag:s31] =	ssyncadd.s32 $0xFFFFE000  }
0xae: {  	[tilespmem:s17], [sflag:$0x6] =	stream.indirect.gather [hbm4b:s2+s23], $0x80, s24, s23, $0xb8;
	[tilespmem:$0x10400] =	vst v63  }
0xaf: {  	_ =	swait.ge [sflag:s1], $0x40  }
0xb0: {  	[sflag:s1] =	ssyncset.done $0x0  }
0xb1: {  	[sflag:s1] =	ssyncadd.s32 $0xFFFFFFC0  }
0xb2: {  	_ =	swait.ge [sflag:s0], $0x2000  }
0xb3: {  	[sflag:s0] =	ssyncset.done $0x0  }
0xb4: {  	[sflag:s0] =	ssyncadd.s32 $0xFFFFE000  }
0xb5: {  	[tilespmem:s18], [sflag:$0x7] =	stream.indirect.gather [hbm4b:s2+s23], $0x80, s26, s23, $0xb8;
	[tilespmem:$0x10400] =	vst v63  }
0xb6: {  	_ =	swait.ge [sflag:s5], $0x40  }
0xb7: {  	[sflag:s5] =	ssyncset.done $0x0  }
0xb8: {  	[sflag:s5] =	ssyncadd.s32 $0xFFFFFFC0  }
0xb9: {  	s8 =	sadd.s32 $0x800, s9;
	_ =	swait.ge [sflag:s6], $0x2000  }
0xba: {  	s7 =	simm.s32 $0x40000;
	s29 =	simm.s32 $0x15;
	[sflag:s6] =	ssyncset.done $0x0  }
0xbb: {  	s24 =	simm.s32 $0x13;
	s26 =	simm.s32 $0x14;
	[sflag:s6] =	ssyncadd.s32 $0xFFFFE000  }
.LBB2_2:
0xbc: {  	s20 =	simm.s32 $0x380;
	s19 =	simm.s32 $0xE400;
	s11 =	simm.s32 $0x1  }
0xbd: {  	[tilespmem:s19], [sflag:$0x8] =	stream.indirect.gather [hbm4b:s2+s23], $0x80, s20, s23, $0xb8;
	[tilespmem:$0x10400] =	vst v63  }
0xbe: {  	_ =	swait.ge [sflag:s11], $0x2000  }
0xbf: {  	s9 =	smov.u32 s7;
	s10 =	rddreg [dreg:$0x4];
	[sflag:s11] =	ssyncset.done $0x0  }
0xc0: {  	[sflag:s11] =	ssyncadd.s32 $0xFFFFE000;
	s9 =	sadd.s32 s9, s10;
	s11 =	simm.s32 $0x400  }
0xc1: {  	[hbm4b:s9+s3] =	stream.linear.scatter [tilespmem:s11], [sflag:$0x9], $0x2000, $0x38;
	[tilespmem:$0x10400] =	vst v63  }
0xc2: {  	s12 =	sadd.s32 $0xFFFFF900, s8;
	s13 =	simm.s32 $0x2  }
0xc3: {  	[tilespmem:s3], [sflag:$0x11] =	stream.linear.gather [hbm4b:s12+s3], $0x40, $0x38;
	[tilespmem:$0x10400] =	vst v63  }
0xc4: {  	_ =	swait.ge [sflag:s13], $0x2000  }
0xc5: {  	[sflag:s13] =	ssyncset.done $0x0  }
0xc6: {  	s14 =	sadd.s32 $0x8000, s9;
	s12 =	simm.s32 $0x2400;
	[sflag:s13] =	ssyncadd.s32 $0xFFFFE000  }
0xc7: {  	[hbm4b:s14+s3] =	stream.linear.scatter [tilespmem:s12], [sflag:$0xA], $0x2000, $0x38;
	[tilespmem:$0x10400] =	vst v63  }
0xc8: {  	s15 =	sadd.s32 $0xFFFFFA00, s8;
	s30 =	simm.s32 $0x80;
	s16 =	simm.s32 $0x3  }
0xc9: {  	[tilespmem:s30], [sflag:$0x12] =	stream.linear.gather [hbm4b:s15+s3], $0x40, $0x38;
	[tilespmem:$0x10400] =	vst v63  }
0xca: {  	_ =	swait.ge [sflag:s16], $0x2000  }
0xcb: {  	[sflag:s16] =	ssyncset.done $0x0  }
0xcc: {  	s17 =	sadd.s32 $0x10000, s9;
	s14 =	simm.s32 $0x4400;
	[sflag:s16] =	ssyncadd.s32 $0xFFFFE000  }
0xcd: {  	[hbm4b:s17+s3] =	stream.linear.scatter [tilespmem:s14], [sflag:$0xB], $0x2000, $0x38;
	[tilespmem:$0x10400] =	vst v63  }
0xce: {  	s18 =	sadd.s32 $0xFFFFFB00, s8;
	s22 =	simm.s32 $0x4;
	s13 =	simm.s32 $0x100  }
0xcf: {  	[tilespmem:s13], [sflag:$0x13] =	stream.linear.gather [hbm4b:s18+s3], $0x40, $0x38;
	[tilespmem:$0x10400] =	vst v63  }
0xd0: {  	_ =	swait.ge [sflag:s22], $0x2000  }
0xd1: {  	[sflag:s22] =	ssyncset.done $0x0  }
0xd2: {  	s25 =	sadd.s32 $0x18000, s9;
	s13 =	simm.s32 $0x6400;
	[sflag:s22] =	ssyncadd.s32 $0xFFFFE000  }
0xd3: {  	[hbm4b:s25+s3] =	stream.linear.scatter [tilespmem:s13], [sflag:$0xC], $0x2000, $0x38;
	[tilespmem:$0x10400] =	vst v63  }
0xd4: {  	s28 =	sadd.s32 $0xFFFFFC00, s8;
	s15 =	simm.s32 $0x180;
	s16 =	simm.s32 $0x5  }
0xd5: {  	[tilespmem:s15], [sflag:$0x14] =	stream.linear.gather [hbm4b:s28+s3], $0x40, $0x38;
	[tilespmem:$0x10400] =	vst v63  }
0xd6: {  	_ =	swait.ge [sflag:s16], $0x2000  }
0xd7: {  	[sflag:s16] =	ssyncset.done $0x0  }
0xd8: {  	s17 =	sadd.s32 $0x20000, s9;
	[sflag:s16] =	ssyncadd.s32 $0xFFFFE000;
	s16 =	simm.s32 $0x8400  }
0xd9: {  	[hbm4b:s17+s3] =	stream.linear.scatter [tilespmem:s16], [sflag:$0xD], $0x2000, $0x38;
	[tilespmem:$0x10400] =	vst v63  }
0xda: {  	s18 =	sadd.s32 $0xFFFFFD00, s8;
	s22 =	simm.s32 $0x200;
	s25 =	simm.s32 $0x6  }
0xdb: {  	[tilespmem:s22], [sflag:$0x15] =	stream.linear.gather [hbm4b:s18+s3], $0x40, $0x38;
	[tilespmem:$0x10400] =	vst v63  }
0xdc: {  	_ =	swait.ge [sflag:s25], $0x2000  }
0xdd: {  	[sflag:s25] =	ssyncset.done $0x0  }
0xde: {  	s28 =	sadd.s32 $0x28000, s9;
	s17 =	simm.s32 $0xA400;
	[sflag:s25] =	ssyncadd.s32 $0xFFFFE000  }
0xdf: {  	[hbm4b:s28+s3] =	stream.linear.scatter [tilespmem:s17], [sflag:$0xE], $0x2000, $0x38;
	[tilespmem:$0x10400] =	vst v63  }
0xe0: {  	s15 =	sadd.s32 $0xFFFFFE00, s8;
	s18 =	simm.s32 $0x7;
	s25 =	simm.s32 $0x280  }
0xe1: {  	[tilespmem:s25], [sflag:$0x16] =	stream.linear.gather [hbm4b:s15+s3], $0x40, $0x38;
	[tilespmem:$0x10400] =	vst v63  }
0xe2: {  	_ =	swait.ge [sflag:s18], $0x2000  }
0xe3: {  	[sflag:s18] =	ssyncset.done $0x0  }
0xe4: {  	s28 =	sadd.s32 $0x30000, s9;
	[sflag:s18] =	ssyncadd.s32 $0xFFFFE000;
	s18 =	simm.s32 $0xC400  }
0xe5: {  	[hbm4b:s28+s3] =	stream.linear.scatter [tilespmem:s18], [sflag:$0xF], $0x2000, $0x38;
	[tilespmem:$0x10400] =	vst v63  }
0xe6: {  	s15 =	sadd.s32 $0xFFFFFF00, s8;
	s28 =	simm.s32 $0x300  }
0xe7: {  	[tilespmem:s28], [sflag:$0x17] =	stream.linear.gather [hbm4b:s15+s3], $0x40, $0x38;
	[tilespmem:$0x10400] =	vst v63  }
0xe8: {  	s15 =	simm.s32 $0x8  }
0xe9: {  	_ =	swait.ge [sflag:s15], $0x2000  }
0xea: {  	[sflag:s15] =	ssyncset.done $0x0  }
0xeb: {  	s9 =	sadd.s32 $0x38000, s9;
	[sflag:s15] =	ssyncadd.s32 $0xFFFFE000  }
0xec: {  	[hbm4b:s9+s3] =	stream.linear.scatter [tilespmem:s19], [sflag:$0x10], $0x2000, $0x38;
	[tilespmem:$0x10400] =	vst v63  }
0xed: {  	_ = 	snop  }
0xee: {  	[tilespmem:s20], [sflag:$0x18] =	stream.linear.gather [hbm4b:s8+s3], $0x40, $0x38;
	[tilespmem:$0x10400] =	vst v63  }
0xef: {  	_ =	swait.ge [sflag:s4], $0x40  }
0xf0: {  	[sflag:s4] =	ssyncset.done $0x0  }
0xf1: {  	s10 =	simm.s32 $0x9;
	[sflag:s4] =	ssyncadd.s32 $0xFFFFFFC0  }
0xf2: {  	_ =	swait.ge [sflag:s10], $0x2000  }
0xf3: {  	[sflag:s10] =	ssyncset.done $0x0  }
0xf4: {  	[sflag:s10] =	ssyncadd.s32 $0xFFFFE000  }
0xf5: {  	[tilespmem:s11], [sflag:$0x1] =	stream.indirect.gather [hbm4b:s2+s23], $0x80, s3, s23, $0xb8;
	[tilespmem:$0x10400] =	vst v63  }
0xf6: {  	_ =	swait.ge [sflag:s21], $0x40  }
0xf7: {  	[sflag:s21] =	ssyncset.done $0x0  }
0xf8: {  	s11 =	simm.s32 $0xA;
	[sflag:s21] =	ssyncadd.s32 $0xFFFFFFC0  }
0xf9: {  	_ =	swait.ge [sflag:s11], $0x2000  }
0xfa: {  	[sflag:s11] =	ssyncset.done $0x0  }
0xfb: {  	[sflag:s11] =	ssyncadd.s32 $0xFFFFE000  }
0xfc: {  	[tilespmem:s12], [sflag:$0x2] =	stream.indirect.gather [hbm4b:s2+s23], $0x80, s30, s23, $0xb8;
	[tilespmem:$0x10400] =	vst v63  }
0xfd: {  	_ =	swait.ge [sflag:s24], $0x40  }
0xfe: {  	[sflag:s24] =	ssyncset.done $0x0  }
0xff: {  	s15 =	simm.s32 $0xB;
	[sflag:s24] =	ssyncadd.s32 $0xFFFFFFC0  }
0x100: {  	_ =	swait.ge [sflag:s15], $0x2000  }
0x101: {  	[sflag:s15] =	ssyncset.done $0x0  }
0x102: {  	s12 =	simm.s32 $0x100;
	[sflag:s15] =	ssyncadd.s32 $0xFFFFE000  }
0x103: {  	[tilespmem:s14], [sflag:$0x3] =	stream.indirect.gather [hbm4b:s2+s23], $0x80, s12, s23, $0xb8;
	[tilespmem:$0x10400] =	vst v63  }
0x104: {  	_ =	swait.ge [sflag:s26], $0x40  }
0x105: {  	[sflag:s26] =	ssyncset.done $0x0  }
0x106: {  	s20 =	simm.s32 $0xC;
	[sflag:s26] =	ssyncadd.s32 $0xFFFFFFC0  }
0x107: {  	_ =	swait.ge [sflag:s20], $0x2000  }
0x108: {  	[sflag:s20] =	ssyncset.done $0x0  }
0x109: {  	s14 =	simm.s32 $0x180;
	[sflag:s20] =	ssyncadd.s32 $0xFFFFE000  }
0x10a: {  	[tilespmem:s13], [sflag:$0x4] =	stream.indirect.gather [hbm4b:s2+s23], $0x80, s14, s23, $0xb8;
	[tilespmem:$0x10400] =	vst v63  }
0x10b: {  	_ =	swait.ge [sflag:s29], $0x40  }
0x10c: {  	[sflag:s29] =	ssyncset.done $0x0  }
0x10d: {  	s20 =	simm.s32 $0xD;
	[sflag:s29] =	ssyncadd.s32 $0xFFFFFFC0  }
0x10e: {  	_ =	swait.ge [sflag:s20], $0x2000  }
0x10f: {  	[sflag:s20] =	ssyncset.done $0x0  }
0x110: {  	s30 =	simm.s32 $0x16;
	[sflag:s20] =	ssyncadd.s32 $0xFFFFE000  }
0x111: {  	[tilespmem:s16], [sflag:$0x5] =	stream.indirect.gather [hbm4b:s2+s23], $0x80, s22, s23, $0xb8;
	[tilespmem:$0x10400] =	vst v63  }
0x112: {  	_ =	swait.ge [sflag:s30], $0x40  }
0x113: {  	[sflag:s30] =	ssyncset.done $0x0  }
0x114: {  	[sflag:s30] =	ssyncadd.s32 $0xFFFFFFC0  }
0x115: {  	_ =	swait.ge [sflag:s31], $0x2000  }
0x116: {  	[sflag:s31] =	ssyncset.done $0x0  }
0x117: {  	[sflag:s31] =	ssyncadd.s32 $0xFFFFE000  }
0x118: {  	[tilespmem:s17], [sflag:$0x6] =	stream.indirect.gather [hbm4b:s2+s23], $0x80, s25, s23, $0xb8;
	[tilespmem:$0x10400] =	vst v63  }
0x119: {  	_ =	swait.ge [sflag:s1], $0x40  }
0x11a: {  	[sflag:s1] =	ssyncset.done $0x0  }
0x11b: {  	[sflag:s1] =	ssyncadd.s32 $0xFFFFFFC0  }
0x11c: {  	_ =	swait.ge [sflag:s0], $0x2000  }
0x11d: {  	[sflag:s0] =	ssyncset.done $0x0  }
0x11e: {  	[sflag:s0] =	ssyncadd.s32 $0xFFFFE000  }
0x11f: {  	[tilespmem:s18], [sflag:$0x7] =	stream.indirect.gather [hbm4b:s2+s23], $0x80, s28, s23, $0xb8;
	[tilespmem:$0x10400] =	vst v63  }
0x120: {  	p0 =	sne.s32 s7, $0xC00000;
	s7 =	sadd.s32 $0x40000, s7;
	_ =	swait.ge [sflag:s5], $0x40  }
.Ltmp0:
0x121: {  	s19 =	simm.s32 $0x380;
	[sflag:s5] =	ssyncset.done $0x0;
	(pc) =	sbr.rel @p0 .LBB2_2-.Ltmp0, $4  }
0x122: {  	s9 =	simm.s32 $0x400;
	s8 =	sadd.s32 $0x800, s8;
	[sflag:s5] =	ssyncadd.s32 $0xFFFFFFC0  }
0x123: {  	s10 =	simm.s32 $0x2400;
	s11 =	simm.s32 $0x4400;
	_ =	swait.ge [sflag:s6], $0x2000  }
0x124: {  	s15 =	simm.s32 $0x6400;
	s13 =	simm.s32 $0x8400;
	[sflag:s6] =	ssyncset.done $0x0  }
0x125: {  	s16 =	simm.s32 $0xA400;
	s17 =	simm.s32 $0xC400;
	[sflag:s6] =	ssyncadd.s32 $0xFFFFE000  }
0x126: {  	s8 =	simm.s32 $0xE400;
	s7 =	simm.s32 $0x1  }
0x127: {  	[tilespmem:s8], [sflag:$0x8] =	stream.indirect.gather [hbm4b:s2+s23], $0x80, s19, s23, $0xb8;
	[tilespmem:$0x10400] =	vst v63  }
0x128: {  	_ =	swait.ge [sflag:s7], $0x2000  }
0x129: {  	[sflag:s7] =	ssyncset.done $0x0  }
0x12a: {  	s24 =	simm.s32 $0x2;
	s22 =	rddreg [dreg:$0xd];
	[sflag:s7] =	ssyncadd.s32 $0xFFFFE000  }
0x12b: {  	[hbm4b:s22+s3] =	stream.linear.scatter [tilespmem:s9], [sflag:$0x9], $0x2000, $0x38;
	[tilespmem:$0x10400] =	vst v63  }
0x12c: {  	_ =	swait.ge [sflag:s24], $0x2000  }
0x12d: {  	[sflag:s24] =	ssyncset.done $0x0  }
0x12e: {  	s26 =	simm.s32 $0x3;
	s25 =	rddreg [dreg:$0xe];
	[sflag:s24] =	ssyncadd.s32 $0xFFFFE000  }
0x12f: {  	[hbm4b:s25+s3] =	stream.linear.scatter [tilespmem:s10], [sflag:$0xA], $0x2000, $0x38;
	[tilespmem:$0x10400] =	vst v63  }
0x130: {  	_ =	swait.ge [sflag:s26], $0x2000  }
0x131: {  	[sflag:s26] =	ssyncset.done $0x0  }
0x132: {  	s4 =	simm.s32 $0x4;
	s29 =	rddreg [dreg:$0xf];
	[sflag:s26] =	ssyncadd.s32 $0xFFFFE000  }
0x133: {  	[hbm4b:s29+s3] =	stream.linear.scatter [tilespmem:s11], [sflag:$0xB], $0x2000, $0x38;
	[tilespmem:$0x10400] =	vst v63  }
0x134: {  	_ =	swait.ge [sflag:s4], $0x2000  }
0x135: {  	[sflag:s4] =	ssyncset.done $0x0  }
0x136: {  	s10 =	simm.s32 $0x5;
	s9 =	rddreg [dreg:$0x10];
	[sflag:s4] =	ssyncadd.s32 $0xFFFFE000  }
0x137: {  	[hbm4b:s9+s3] =	stream.linear.scatter [tilespmem:s15], [sflag:$0xC], $0x2000, $0x38;
	[tilespmem:$0x10400] =	vst v63  }
0x138: {  	_ =	swait.ge [sflag:s10], $0x2000  }
0x139: {  	[sflag:s10] =	ssyncset.done $0x0  }
0x13a: {  	s11 =	rddreg [dreg:$0x11];
	[sflag:s10] =	ssyncadd.s32 $0xFFFFE000  }
0x13b: {  	[hbm4b:s11+s3] =	stream.linear.scatter [tilespmem:s13], [sflag:$0xD], $0x2000, $0x38;
	[tilespmem:$0x10400] =	vst v63  }
0x13c: {  	s13 =	simm.s32 $0x6  }
0x13d: {  	_ =	swait.ge [sflag:s13], $0x2000  }
0x13e: {  	[sflag:s13] =	ssyncset.done $0x0  }
0x13f: {  	s15 =	rddreg [dreg:$0x12];
	[sflag:s13] =	ssyncadd.s32 $0xFFFFE000  }
0x140: {  	[hbm4b:s15+s3] =	stream.linear.scatter [tilespmem:s16], [sflag:$0xE], $0x2000, $0x38;
	[tilespmem:$0x10400] =	vst v63  }
0x141: {  	s16 =	simm.s32 $0x7  }
0x142: {  	_ =	swait.ge [sflag:s16], $0x2000  }
0x143: {  	[sflag:s16] =	ssyncset.done $0x0  }
0x144: {  	s19 =	simm.s32 $0x8;
	s18 =	rddreg [dreg:$0x13];
	[sflag:s16] =	ssyncadd.s32 $0xFFFFE000  }
0x145: {  	[hbm4b:s18+s3] =	stream.linear.scatter [tilespmem:s17], [sflag:$0xF], $0x2000, $0x38;
	[tilespmem:$0x10400] =	vst v63  }
0x146: {  	_ =	swait.ge [sflag:s19], $0x2000  }
0x147: {  	[sflag:s19] =	ssyncset.done $0x0  }
0x148: {  	s4 =	simm.s32 $0x9;
	s20 =	rddreg [dreg:$0x14];
	[sflag:s19] =	ssyncadd.s32 $0xFFFFE000  }
0x149: {  	[hbm4b:s20+s3] =	stream.linear.scatter [tilespmem:s8], [sflag:$0x10], $0x2000, $0x38;
	[tilespmem:$0x10400] =	vst v63  }
0x14a: {  	_ =	swait.ge [sflag:s4], $0x2000  }
0x14b: {  	[sflag:s4] =	ssyncset.done $0x0  }
0x14c: {  	s21 =	simm.s32 $0xA;
	[sflag:s4] =	ssyncadd.s32 $0xFFFFE000  }
0x14d: {  	_ =	swait.ge [sflag:s21], $0x2000  }
0x14e: {  	[sflag:s21] =	ssyncset.done $0x0  }
0x14f: {  	s22 =	simm.s32 $0xB;
	[sflag:s21] =	ssyncadd.s32 $0xFFFFE000  }
0x150: {  	_ =	swait.ge [sflag:s22], $0x2000  }
0x151: {  	[sflag:s22] =	ssyncset.done $0x0  }
0x152: {  	s24 =	simm.s32 $0xC;
	[sflag:s22] =	ssyncadd.s32 $0xFFFFE000  }
0x153: {  	_ =	swait.ge [sflag:s24], $0x2000  }
0x154: {  	[sflag:s24] =	ssyncset.done $0x0  }
0x155: {  	s25 =	simm.s32 $0xD;
	[sflag:s24] =	ssyncadd.s32 $0xFFFFE000  }
0x156: {  	_ =	swait.ge [sflag:s25], $0x2000  }
0x157: {  	[sflag:s25] =	ssyncset.done $0x0  }
0x158: {  	[sflag:s25] =	ssyncadd.s32 $0xFFFFE000  }
0x159: {  	_ =	swait.ge [sflag:s31], $0x2000  }
0x15a: {  	[sflag:s31] =	ssyncset.done $0x0  }
0x15b: {  	[sflag:s31] =	ssyncadd.s32 $0xFFFFE000  }
0x15c: {  	_ =	swait.ge [sflag:s0], $0x2000  }
0x15d: {  	[sflag:s0] =	ssyncset.done $0x0  }
0x15e: {  	[sflag:s0] =	ssyncadd.s32 $0xFFFFE000  }
0x15f: {  	_ =	swait.ge [sflag:s6], $0x2000  }
0x160: {  	s26 =	rddreg [dreg:$0x17]  }
0x161: {  	s29 =	rddreg [dreg:$0x15];
	s4 =	sadd.s32 $0x1, s26  }
0x162: {  	p0 =	sne.s32 s4, s29  }
.Ltmp1:
0x163: {  	_ = 	snop;
	(pc) =	sbr.rel @p0 .LBB2_1-.Ltmp1, $3  }
0x164: {  	_ =	sdelay $0x1  }
0x165: {  	s28 =	simm.s32 $0x15;
	s9 =	simm.s32 $0x80;
	[sflag:s6] =	ssyncset.done $0x0  }
0x166: {  	s22 =	simm.s32 $0x13;
	s25 =	simm.s32 $0x14;
	[sflag:s6] =	ssyncadd.s32 $0xFFFFE000  }
0x167: {  	_ =	sfence.sel $0x180000  }
0x168: {  	[bflag:$0x0] =	sbarrier.arrive $0xFFFF  }
0x169: {  	_ =	strace $0x90000047  }
0x16a: {  	s0 =	stileid.u32;
	[bflag:$0x2] =	sbarrier.arrive $0xFFFF  }
0x16b: {  	p0 =	sne.s32 s0, $0x0;
	s0 =	rddreg [dreg:$0x3]  }
0x16c: {  	s0 =	sadd.s32 @!p0 $0x100000, s0  }
0x16d: {  	[sflag:s0] =	ssyncadd.tile.s32 @!p0 $0x1;
	_ =	shalt  }
.Lfunc_end2:
_tile_overlayer_lowered:
.L_overlay_start_2:
0x16e: {  	(tag) =	ssettag $0x2  }
0x16f: {  	s0 =	rddreg [dreg:$0x0];
	s2 =	stileid.u32  }
0x170: {  	s1 =	rddreg [dreg:$0x1];
	p0 =	sne.s32 s2, $0x0  }
0x171: {  	s3 =	rddreg [dreg:$0x2];
	[bflag:$0x3] =	sbarrier.arrive $0xFFFF;
	s2 =	simm.s32 @!p0 $0x1C19  }
0x172: {  	[timem:s3], [sflag:s2] =	dma.local @!p0 [hbm:s0], s1  }
0x173: {  	s0 =	simm.s32 @!p0 $0x19  }
0x174: {  	_ =	swait.ge @!p0 [sflag:s0], s1  }
0x175: {  	s1 =	ssub.s32 @!p0 $0x0, s1;
	[sflag:s0] =	ssyncset.done @!p0 $0x0  }
0x176: {  	[sflag:s0] =	ssyncadd.s32 @!p0 s1  }
0x177: {  	[bflag:$0x3] =	sbarrier.arrive $0xFFFF  }
0x178: {  	_ =	shalt  }

</sc_bundles>
